<compile_context>
chip_gen: v7x
topology: tpu7x:2x2x1
jax: 0.10.2.dev20260603
libtpu: 0.0.44.dev20260713+nightly
codegen_flags: <defaults>
</compile_context>

<pallas_src>
import functools

import jax
import jax.numpy as jnp
from jax import lax
from jax.experimental import pallas as pl
from jax.experimental.pallas import tpu as pltpu
from jax.experimental.pallas import tpu_sc as plsc

D = 768
N = 4 * 8192
NC, NS = 2, 16
NW = NC * NS
PER_W = N // NW
C = 32
NCH = PER_W // C


def _sc_fused(idx3d, x2d, table):
    mesh = plsc.VectorSubcoreMesh(core_axis_name="c", subcore_axis_name="s")

    @functools.partial(
        pl.kernel,
        out_type=jax.ShapeDtypeStruct((N, D), jnp.float32),
        mesh=mesh,
        scratch_types=[
            pltpu.VMEM((NCH, C), jnp.int32),
            pltpu.VMEM((2, C, D), jnp.float32),
            pltpu.VMEM((2, C, D), jnp.float32),
            pltpu.SemaphoreType.DMA((2,)),
            pltpu.SemaphoreType.DMA((2,)),
            pltpu.SemaphoreType.DMA((2,)),
        ],
    )
    def fused_kernel(idx_hbm, x_hbm, table_hbm, out_hbm,
                     idx_v, xb, rb, semx, semg, semo):
        wid = lax.axis_index("s") * NC + lax.axis_index("c")
        base = wid * PER_W
        pltpu.sync_copy(idx_hbm.at[wid], idx_v)

        def rows(t):
            return pl.ds(base + t * C, C)

        def start_in(t, p):
            pltpu.async_copy(x_hbm.at[rows(t)], xb.at[p], semx.at[p])
            pltpu.async_copy(table_hbm.at[idx_v.at[t]], rb.at[p], semg.at[p])

        def wait_in(t, p):
            pltpu.make_async_copy(x_hbm.at[rows(t)], xb.at[p], semx.at[p]).wait()
            pltpu.make_async_copy(
                table_hbm.at[idx_v.at[t]], rb.at[p], semg.at[p]).wait()

        def start_out(t, p):
            pltpu.async_copy(xb.at[p], out_hbm.at[rows(t)], semo.at[p])

        def wait_out(t, p):
            pltpu.make_async_copy(xb.at[p], out_hbm.at[rows(t)], semo.at[p]).wait()

        def add(p):
            @pl.loop(0, C)
            def _(r):
                @plsc.parallel_loop(0, D, step=16, unroll=4)
                def _(j):
                    sl = pl.ds(j, 16)
                    xb[p, r, sl] = xb[p, r, sl] + rb[p, r, sl]

        start_in(0, 0)

        @pl.loop(0, NCH, step=2)
        def _(t0):
            for p in (0, 1):
                t = t0 + p
                q = 1 - p

                @pl.when(t > 0)
                def _():
                    wait_out(t - 1, q)

                @pl.when(t + 1 < NCH)
                def _():
                    start_in(t + 1, q)

                wait_in(t, p)
                add(p)
                start_out(t, p)

        wait_out(NCH - 1, (NCH - 1) % 2)

    return fused_kernel(idx3d, x2d, table)


def kernel(x, pe_index, pe_weight):
    b, s, d = x.shape
    x2d = x.reshape(N, D)
    idx3d = pe_index.reshape(NW, NCH, C).astype(jnp.int32)
    out = _sc_fused(idx3d, x2d, pe_weight)
    return out.reshape(b, s, d)

# --- scband reference (transcript-rebuilt; emitter-appended) ---
"""Pipeline reference for scband-positional-encoding-45526653337703 (READ-ONLY COPY).

The authoritative reference and input builder live on the scoring server;
editing this copy changes nothing except your own understanding.
"""

import jax, jax.numpy as jnp
import numpy as np
import math

EMBED_DIM = 768
MAX_LEN = 8192
BATCH = 4
SEQ = 8192


def make_pe(max_len, d):
    position = np.arange(max_len, dtype=np.float32)[:, None]
    div_term = np.exp(np.arange(0, d, 2, dtype=np.float32) * (-math.log(10000.0) / d))
    pe = np.zeros((max_len, d), dtype=np.float32)
    pe[:, 0::2] = np.sin(position * div_term)
    pe[:, 1::2] = np.cos(position * div_term)
    return jnp.asarray(pe)


def setup_inputs(seed: int = 0) -> dict:
    key = jax.random.key(seed)
    k1, k2 = jax.random.split(key)
    x = jax.random.normal(k1, (BATCH, SEQ, EMBED_DIM), dtype=jnp.float32)
    pe_index = jax.random.randint(k2, (BATCH, SEQ), 0, MAX_LEN, dtype=jnp.int64 if jax.config.jax_enable_x64 else jnp.int32)
    pe_weight = make_pe(MAX_LEN, EMBED_DIM)
    return {"x": x, "pe_index": pe_index, "pe_weight": pe_weight}


def reference(x, pe_index, pe_weight):
    # nn.Embedding lookup (under torch.no_grad in the original)
    positional_embed = jnp.take(pe_weight, pe_index, axis=0)  # [B, S, D]
    out = x + positional_embed
    # dropout in eval mode -> identity (deterministic reference)
    return out

if __name__ == "__main__":
    import jax
    _d = setup_inputs()
    print(jax.jit(kernel)(*tuple(_d.values())))

</pallas_src>

<mosaic_0001>
#map = affine_map<(d0, d1) -> (0, 0, 0)>
#map1 = affine_map<(d0, d1) -> (0, 0)>
module attributes {stable_mosaic.version = 14 : i64} {
  func.func @fused_kernel(%arg0: i32, %arg1: i32, %arg2: memref<32x32x32xi32, #tpu.memory_space<hbm>>, %arg3: memref<32768x768xf32, #tpu.memory_space<hbm>>, %arg4: memref<8192x768xf32, #tpu.memory_space<hbm>>, %arg5: memref<32768x768xf32, #tpu.memory_space<hbm>>, %arg6: memref<32x32xi32, #tpu.memory_space<vmem>>, %arg7: memref<2x32x768xf32, #tpu.memory_space<vmem>>, %arg8: memref<2x32x768xf32, #tpu.memory_space<vmem>>, %arg9: memref<2x!tpu.dma_semaphore, #tpu.memory_space<semaphore_mem>>, %arg10: memref<2x!tpu.dma_semaphore, #tpu.memory_space<semaphore_mem>>, %arg11: memref<2x!tpu.dma_semaphore, #tpu.memory_space<semaphore_mem>>) attributes {dimension_semantics = [#tpu.dimension_semantics<core_parallel>, #tpu.dimension_semantics<subcore_parallel>], iteration_bounds = array<i64: 2, 16>, scalar_prefetch = 0 : i64, scratch_operands = 6 : i64, tpu.core_type = #tpu.core_type<sc_vector_subcore>, window_params = [{transform_indices = #map}, {transform_indices = #map1}, {transform_indices = #map1}, {transform_indices = #map1}]} {
    %mul3A = arith.constant 2 : i32
    %mul3A_0 = arith.muli %arg1, %mul3A : i32
    %add3A = arith.addi %mul3A_0, %arg0 : i32
    %mul3A_1 = arith.constant 1024 : i32
    %mul3A_2 = arith.muli %add3A, %mul3A_1 : i32
    "tpu.region"() ({
      %run_scoped3A = tpu.sem_alloc : memref<!tpu.dma_semaphore, #tpu.memory_space<semaphore_mem>>
      %dma_start3A_56 = arith.constant 0 : i32
      %dma_start3A_57 = arith.constant 0 : i32
      %dma_start3A_58 = tpu.memref_slice %arg2[%add3A, %dma_start3A_56, %dma_start3A_57] : memref<32x32x32xi32, #tpu.memory_space<hbm>> -> memref<1x32x32xi32, #tpu.memory_space<hbm>>
      %dma_start3A_59 = tpu.memref_squeeze %dma_start3A_58 : memref<1x32x32xi32, #tpu.memory_space<hbm>> -> memref<32x32xi32, #tpu.memory_space<hbm>>
      %dma_start3A_60 = arith.constant 0 : i32
      %dma_start3A_61 = arith.constant 0 : i32
      %dma_start3A_62 = tpu.memref_slice %arg2[%add3A, %dma_start3A_60, %dma_start3A_61] : memref<32x32x32xi32, #tpu.memory_space<hbm>> -> memref<1x32x32xi32, #tpu.memory_space<hbm>>
      %dma_start3A_63 = tpu.memref_squeeze %dma_start3A_62 : memref<1x32x32xi32, #tpu.memory_space<hbm>> -> memref<32x32xi32, #tpu.memory_space<hbm>>
      tpu.enqueue_dma source(%dma_start3A_63 : memref<32x32xi32, #tpu.memory_space<hbm>>) target(%arg6 : memref<32x32xi32, #tpu.memory_space<vmem>>) target_semaphore(%run_scoped3A : memref<!tpu.dma_semaphore, #tpu.memory_space<semaphore_mem>>)
      %dma_wait3A_64 = arith.constant 0 : i32
      %dma_wait3A_65 = arith.constant 0 : i32
      %dma_wait3A_66 = tpu.memref_slice %arg2[%add3A, %dma_wait3A_64, %dma_wait3A_65] : memref<32x32x32xi32, #tpu.memory_space<hbm>> -> memref<1x32x32xi32, #tpu.memory_space<hbm>>
      %dma_wait3A_67 = tpu.memref_squeeze %dma_wait3A_66 : memref<1x32x32xi32, #tpu.memory_space<hbm>> -> memref<32x32xi32, #tpu.memory_space<hbm>>
      %dma_wait3A_68 = arith.constant 0 : i32
      %dma_wait3A_69 = arith.constant 0 : i32
      %dma_wait3A_70 = tpu.memref_slice %arg2[%add3A, %dma_wait3A_68, %dma_wait3A_69] : memref<32x32x32xi32, #tpu.memory_space<hbm>> -> memref<1x32x32xi32, #tpu.memory_space<hbm>>
      %dma_wait3A_71 = tpu.memref_squeeze %dma_wait3A_70 : memref<1x32x32xi32, #tpu.memory_space<hbm>> -> memref<32x32xi32, #tpu.memory_space<hbm>>
      tpu.wait_dma2 semaphore(%run_scoped3A : memref<!tpu.dma_semaphore, #tpu.memory_space<semaphore_mem>>) src(%dma_wait3A_71 : memref<32x32xi32, #tpu.memory_space<hbm>>) dst(%arg6 : memref<32x32xi32, #tpu.memory_space<vmem>>)
      tpu.yield
    }) : () -> ()
    %add3A_3 = arith.constant 0 : i32
    %add3A_4 = arith.addi %mul3A_2, %add3A_3 : i32
    %dma_start3A = arith.constant 0 : i32
    %dma_start3A_5 = arith.constant 0 : i32
    %dma_start3A_6 = arith.constant 0 : i32
    %dma_start3A_7 = arith.constant 0 : i32
    %dma_start3A_8 = tpu.memref_slice %arg7[%dma_start3A, %dma_start3A_6, %dma_start3A_7] : memref<2x32x768xf32, #tpu.memory_space<vmem>> -> memref<1x32x768xf32, #tpu.memory_space<vmem>>
    %dma_start3A_9 = tpu.memref_squeeze %dma_start3A_8 : memref<1x32x768xf32, #tpu.memory_space<vmem>> -> memref<32x768xf32, #tpu.memory_space<vmem>>
    %dma_start3A_10 = arith.constant 0 : i32
    %dma_start3A_11 = tpu.memref_slice %arg3[%add3A_4, %dma_start3A_10] : memref<32768x768xf32, #tpu.memory_space<hbm>> -> memref<32x768xf32, #tpu.memory_space<hbm>>
    %dma_start3A_12 = tpu.memref_slice %arg9[%dma_start3A_5] : memref<2x!tpu.dma_semaphore, #tpu.memory_space<semaphore_mem>> -> memref<1x!tpu.dma_semaphore, #tpu.memory_space<semaphore_mem>>
    %dma_start3A_13 = tpu.memref_squeeze %dma_start3A_12 : memref<1x!tpu.dma_semaphore, #tpu.memory_space<semaphore_mem>> -> memref<!tpu.dma_semaphore, #tpu.memory_space<semaphore_mem>>
    %dma_start3A_14 = arith.constant 0 : i32
    %dma_start3A_15 = arith.constant 0 : i32
    %dma_start3A_16 = tpu.memref_slice %arg7[%dma_start3A, %dma_start3A_14, %dma_start3A_15] : memref<2x32x768xf32, #tpu.memory_space<vmem>> -> memref<1x32x768xf32, #tpu.memory_space<vmem>>
    %dma_start3A_17 = tpu.memref_squeeze %dma_start3A_16 : memref<1x32x768xf32, #tpu.memory_space<vmem>> -> memref<32x768xf32, #tpu.memory_space<vmem>>
    %dma_start3A_18 = arith.constant 0 : i32
    %dma_start3A_19 = tpu.memref_slice %arg3[%add3A_4, %dma_start3A_18] : memref<32768x768xf32, #tpu.memory_space<hbm>> -> memref<32x768xf32, #tpu.memory_space<hbm>>
    tpu.enqueue_dma source(%dma_start3A_19 : memref<32x768xf32, #tpu.memory_space<hbm>>) target(%dma_start3A_17 : memref<32x768xf32, #tpu.memory_space<vmem>>) target_semaphore(%dma_start3A_13 : memref<!tpu.dma_semaphore, #tpu.memory_space<semaphore_mem>>)
    %dma_start3A_20 = arith.constant 0 : i32
    %dma_start3A_21 = arith.constant 0 : i32
    %dma_start3A_22 = arith.constant 0 : i32
    %dma_start3A_23 = arith.constant 0 : i32
    %dma_start3A_24 = arith.constant 0 : i32
    %dma_start3A_25 = tpu.memref_slice %arg8[%dma_start3A_21, %dma_start3A_23, %dma_start3A_24] : memref<2x32x768xf32, #tpu.memory_space<vmem>> -> memref<1x32x768xf32, #tpu.memory_space<vmem>>
    %dma_start3A_26 = tpu.memref_squeeze %dma_start3A_25 : memref<1x32x768xf32, #tpu.memory_space<vmem>> -> memref<32x768xf32, #tpu.memory_space<vmem>>
    %dma_start3A_27 = arith.constant 0 : i32
    %dma_start3A_28 = tpu.memref_slice %arg6[%dma_start3A_20, %dma_start3A_27] : memref<32x32xi32, #tpu.memory_space<vmem>> -> memref<1x32xi32, #tpu.memory_space<vmem>>
    %dma_start3A_29 = tpu.memref_squeeze %dma_start3A_28 : memref<1x32xi32, #tpu.memory_space<vmem>> -> memref<32xi32, #tpu.memory_space<vmem>>
    %dma_start3A_30 = arith.constant 0 : i32
    %dma_start3A_31 = arith.constant 0 : i32
    %dma_start3A_32 = tpu.memref_slice %arg4[%dma_start3A_30, %dma_start3A_31] : memref<8192x768xf32, #tpu.memory_space<hbm>> -> memref<8192x768xf32, #tpu.memory_space<hbm>>
    %dma_start3A_33 = tpu.memref_slice %arg10[%dma_start3A_22] : memref<2x!tpu.dma_semaphore, #tpu.memory_space<semaphore_mem>> -> memref<1x!tpu.dma_semaphore, #tpu.memory_space<semaphore_mem>>
    %dma_start3A_34 = tpu.memref_squeeze %dma_start3A_33 : memref<1x!tpu.dma_semaphore, #tpu.memory_space<semaphore_mem>> -> memref<!tpu.dma_semaphore, #tpu.memory_space<semaphore_mem>>
    tpu.enqueue_indirect_dma source(%dma_start3A_32 : memref<8192x768xf32, #tpu.memory_space<hbm>>) target(%dma_start3A_26 : memref<32x768xf32, #tpu.memory_space<vmem>>) offsets(%dma_start3A_29 : memref<32xi32, #tpu.memory_space<vmem>>) semaphore(%dma_start3A_34 : memref<!tpu.dma_semaphore, #tpu.memory_space<semaphore_mem>>)
    %scan3A = arith.constant 0 : i32
    %scan3A_35 = arith.constant 16 : i32
    %scan3A_36 = arith.addi %scan3A, %scan3A_35 : i32
    %scan3A_37 = arith.constant 1 : i32
    scf.for %scan3A_56 = %scan3A to %scan3A_36 step %scan3A_37  : i32 {
      %mul3A_57 = arith.constant 2 : i32
      %mul3A_58 = arith.muli %scan3A_56, %mul3A_57 : i32
      %add3A_59 = arith.constant 0 : i32
      %add3A_60 = arith.addi %add3A_59, %mul3A_58 : i32
      %add3A_61 = arith.constant 0 : i32
      %add3A_62 = arith.addi %add3A_60, %add3A_61 : i32
      %gt3A = arith.constant 0 : i32
      %gt3A_63 = arith.cmpi sgt, %add3A_62, %gt3A : i32
      %convert_element_type3A = arith.extui %gt3A_63 : i1 to i32
      %cond3A = arith.constant 0 : i32
      %cond3A_64 = arith.cmpi ne, %convert_element_type3A, %cond3A : i32
      scf.if %cond3A_64 {
        %sub3A = arith.constant 1 : i32
        %sub3A_199 = arith.subi %add3A_62, %sub3A : i32
        %mul3A_200 = arith.constant 32 : i32
        %mul3A_201 = arith.muli %sub3A_199, %mul3A_200 : i32
        %add3A_202 = arith.addi %mul3A_2, %mul3A_201 : i32
        %dma_wait3A_203 = arith.constant 1 : i32
        %dma_wait3A_204 = arith.constant 1 : i32
        %dma_wait3A_205 = arith.constant 0 : i32
        %dma_wait3A_206 = arith.constant 0 : i32
        %dma_wait3A_207 = tpu.memref_slice %arg7[%dma_wait3A_203, %dma_wait3A_205, %dma_wait3A_206] : memref<2x32x768xf32, #tpu.memory_space<vmem>> -> memref<1x32x768xf32, #tpu.memory_space<vmem>>
        %dma_wait3A_208 = tpu.memref_squeeze %dma_wait3A_207 : memref<1x32x768xf32, #tpu.memory_space<vmem>> -> memref<32x768xf32, #tpu.memory_space<vmem>>
        %dma_wait3A_209 = arith.constant 0 : i32
        %dma_wait3A_210 = tpu.memref_slice %arg5[%add3A_202, %dma_wait3A_209] : memref<32768x768xf32, #tpu.memory_space<hbm>> -> memref<32x768xf32, #tpu.memory_space<hbm>>
        %dma_wait3A_211 = tpu.memref_slice %arg11[%dma_wait3A_204] : memref<2x!tpu.dma_semaphore, #tpu.memory_space<semaphore_mem>> -> memref<1x!tpu.dma_semaphore, #tpu.memory_space<semaphore_mem>>
        %dma_wait3A_212 = tpu.memref_squeeze %dma_wait3A_211 : memref<1x!tpu.dma_semaphore, #tpu.memory_space<semaphore_mem>> -> memref<!tpu.dma_semaphore, #tpu.memory_space<semaphore_mem>>
        %dma_wait3A_213 = arith.constant 0 : i32
        %dma_wait3A_214 = tpu.memref_slice %arg5[%add3A_202, %dma_wait3A_213] : memref<32768x768xf32, #tpu.memory_space<hbm>> -> memref<32x768xf32, #tpu.memory_space<hbm>>
        %dma_wait3A_215 = arith.constant 0 : i32
        %dma_wait3A_216 = arith.constant 0 : i32
        %dma_wait3A_217 = tpu.memref_slice %arg7[%dma_wait3A_203, %dma_wait3A_215, %dma_wait3A_216] : memref<2x32x768xf32, #tpu.memory_space<vmem>> -> memref<1x32x768xf32, #tpu.memory_space<vmem>>
        %dma_wait3A_218 = tpu.memref_squeeze %dma_wait3A_217 : memref<1x32x768xf32, #tpu.memory_space<vmem>> -> memref<32x768xf32, #tpu.memory_space<vmem>>
        tpu.wait_dma2 semaphore(%dma_wait3A_212 : memref<!tpu.dma_semaphore, #tpu.memory_space<semaphore_mem>>) src(%dma_wait3A_218 : memref<32x768xf32, #tpu.memory_space<vmem>>) dst(%dma_wait3A_214 : memref<32x768xf32, #tpu.memory_space<hbm>>)
      } else {
      }
      %add3A_65 = arith.constant 1 : i32
      %add3A_66 = arith.addi %add3A_62, %add3A_65 : i32
      %lt3A = arith.constant 32 : i32
      %lt3A_67 = arith.cmpi slt, %add3A_66, %lt3A : i32
      %convert_element_type3A_68 = arith.extui %lt3A_67 : i1 to i32
      %cond3A_69 = arith.constant 0 : i32
      %cond3A_70 = arith.cmpi ne, %convert_element_type3A_68, %cond3A_69 : i32
      scf.if %cond3A_70 {
        %add3A_199 = arith.constant 1 : i32
        %add3A_200 = arith.addi %add3A_62, %add3A_199 : i32
        %mul3A_201 = arith.constant 32 : i32
        %mul3A_202 = arith.muli %add3A_200, %mul3A_201 : i32
        %add3A_203 = arith.addi %mul3A_2, %mul3A_202 : i32
        %dma_start3A_204 = arith.constant 1 : i32
        %dma_start3A_205 = arith.constant 1 : i32
        %dma_start3A_206 = arith.constant 0 : i32
        %dma_start3A_207 = arith.constant 0 : i32
        %dma_start3A_208 = tpu.memref_slice %arg7[%dma_start3A_204, %dma_start3A_206, %dma_start3A_207] : memref<2x32x768xf32, #tpu.memory_space<vmem>> -> memref<1x32x768xf32, #tpu.memory_space<vmem>>
        %dma_start3A_209 = tpu.memref_squeeze %dma_start3A_208 : memref<1x32x768xf32, #tpu.memory_space<vmem>> -> memref<32x768xf32, #tpu.memory_space<vmem>>
        %dma_start3A_210 = arith.constant 0 : i32
        %dma_start3A_211 = tpu.memref_slice %arg3[%add3A_203, %dma_start3A_210] : memref<32768x768xf32, #tpu.memory_space<hbm>> -> memref<32x768xf32, #tpu.memory_space<hbm>>
        %dma_start3A_212 = tpu.memref_slice %arg9[%dma_start3A_205] : memref<2x!tpu.dma_semaphore, #tpu.memory_space<semaphore_mem>> -> memref<1x!tpu.dma_semaphore, #tpu.memory_space<semaphore_mem>>
        %dma_start3A_213 = tpu.memref_squeeze %dma_start3A_212 : memref<1x!tpu.dma_semaphore, #tpu.memory_space<semaphore_mem>> -> memref<!tpu.dma_semaphore, #tpu.memory_space<semaphore_mem>>
        %dma_start3A_214 = arith.constant 0 : i32
        %dma_start3A_215 = arith.constant 0 : i32
        %dma_start3A_216 = tpu.memref_slice %arg7[%dma_start3A_204, %dma_start3A_214, %dma_start3A_215] : memref<2x32x768xf32, #tpu.memory_space<vmem>> -> memref<1x32x768xf32, #tpu.memory_space<vmem>>
        %dma_start3A_217 = tpu.memref_squeeze %dma_start3A_216 : memref<1x32x768xf32, #tpu.memory_space<vmem>> -> memref<32x768xf32, #tpu.memory_space<vmem>>
        %dma_start3A_218 = arith.constant 0 : i32
        %dma_start3A_219 = tpu.memref_slice %arg3[%add3A_203, %dma_start3A_218] : memref<32768x768xf32, #tpu.memory_space<hbm>> -> memref<32x768xf32, #tpu.memory_space<hbm>>
        tpu.enqueue_dma source(%dma_start3A_219 : memref<32x768xf32, #tpu.memory_space<hbm>>) target(%dma_start3A_217 : memref<32x768xf32, #tpu.memory_space<vmem>>) target_semaphore(%dma_start3A_213 : memref<!tpu.dma_semaphore, #tpu.memory_space<semaphore_mem>>)
        %dma_start3A_220 = arith.constant 1 : i32
        %dma_start3A_221 = arith.constant 1 : i32
        %dma_start3A_222 = arith.constant 0 : i32
        %dma_start3A_223 = arith.constant 0 : i32
        %dma_start3A_224 = tpu.memref_slice %arg8[%dma_start3A_220, %dma_start3A_222, %dma_start3A_223] : memref<2x32x768xf32, #tpu.memory_space<vmem>> -> memref<1x32x768xf32, #tpu.memory_space<vmem>>
        %dma_start3A_225 = tpu.memref_squeeze %dma_start3A_224 : memref<1x32x768xf32, #tpu.memory_space<vmem>> -> memref<32x768xf32, #tpu.memory_space<vmem>>
        %dma_start3A_226 = arith.constant 0 : i32
        %dma_start3A_227 = tpu.memref_slice %arg6[%add3A_200, %dma_start3A_226] : memref<32x32xi32, #tpu.memory_space<vmem>> -> memref<1x32xi32, #tpu.memory_space<vmem>>
        %dma_start3A_228 = tpu.memref_squeeze %dma_start3A_227 : memref<1x32xi32, #tpu.memory_space<vmem>> -> memref<32xi32, #tpu.memory_space<vmem>>
        %dma_start3A_229 = arith.constant 0 : i32
        %dma_start3A_230 = arith.constant 0 : i32
        %dma_start3A_231 = tpu.memref_slice %arg4[%dma_start3A_229, %dma_start3A_230] : memref<8192x768xf32, #tpu.memory_space<hbm>> -> memref<8192x768xf32, #tpu.memory_space<hbm>>
        %dma_start3A_232 = tpu.memref_slice %arg10[%dma_start3A_221] : memref<2x!tpu.dma_semaphore, #tpu.memory_space<semaphore_mem>> -> memref<1x!tpu.dma_semaphore, #tpu.memory_space<semaphore_mem>>
        %dma_start3A_233 = tpu.memref_squeeze %dma_start3A_232 : memref<1x!tpu.dma_semaphore, #tpu.memory_space<semaphore_mem>> -> memref<!tpu.dma_semaphore, #tpu.memory_space<semaphore_mem>>
        tpu.enqueue_indirect_dma source(%dma_start3A_231 : memref<8192x768xf32, #tpu.memory_space<hbm>>) target(%dma_start3A_225 : memref<32x768xf32, #tpu.memory_space<vmem>>) offsets(%dma_start3A_228 : memref<32xi32, #tpu.memory_space<vmem>>) semaphore(%dma_start3A_233 : memref<!tpu.dma_semaphore, #tpu.memory_space<semaphore_mem>>)
      } else {
      }
      %mul3A_71 = arith.constant 32 : i32
      %mul3A_72 = arith.muli %add3A_62, %mul3A_71 : i32
      %add3A_73 = arith.addi %mul3A_2, %mul3A_72 : i32
      %dma_wait3A_74 = arith.constant 0 : i32
      %dma_wait3A_75 = arith.constant 0 : i32
      %dma_wait3A_76 = arith.constant 0 : i32
      %dma_wait3A_77 = arith.constant 0 : i32
      %dma_wait3A_78 = tpu.memref_slice %arg7[%dma_wait3A_74, %dma_wait3A_76, %dma_wait3A_77] : memref<2x32x768xf32, #tpu.memory_space<vmem>> -> memref<1x32x768xf32, #tpu.memory_space<vmem>>
      %dma_wait3A_79 = tpu.memref_squeeze %dma_wait3A_78 : memref<1x32x768xf32, #tpu.memory_space<vmem>> -> memref<32x768xf32, #tpu.memory_space<vmem>>
      %dma_wait3A_80 = arith.constant 0 : i32
      %dma_wait3A_81 = tpu.memref_slice %arg3[%add3A_73, %dma_wait3A_80] : memref<32768x768xf32, #tpu.memory_space<hbm>> -> memref<32x768xf32, #tpu.memory_space<hbm>>
      %dma_wait3A_82 = tpu.memref_slice %arg9[%dma_wait3A_75] : memref<2x!tpu.dma_semaphore, #tpu.memory_space<semaphore_mem>> -> memref<1x!tpu.dma_semaphore, #tpu.memory_space<semaphore_mem>>
      %dma_wait3A_83 = tpu.memref_squeeze %dma_wait3A_82 : memref<1x!tpu.dma_semaphore, #tpu.memory_space<semaphore_mem>> -> memref<!tpu.dma_semaphore, #tpu.memory_space<semaphore_mem>>
      %dma_wait3A_84 = arith.constant 0 : i32
      %dma_wait3A_85 = arith.constant 0 : i32
      %dma_wait3A_86 = tpu.memref_slice %arg7[%dma_wait3A_74, %dma_wait3A_84, %dma_wait3A_85] : memref<2x32x768xf32, #tpu.memory_space<vmem>> -> memref<1x32x768xf32, #tpu.memory_space<vmem>>
      %dma_wait3A_87 = tpu.memref_squeeze %dma_wait3A_86 : memref<1x32x768xf32, #tpu.memory_space<vmem>> -> memref<32x768xf32, #tpu.memory_space<vmem>>
      %dma_wait3A_88 = arith.constant 0 : i32
      %dma_wait3A_89 = tpu.memref_slice %arg3[%add3A_73, %dma_wait3A_88] : memref<32768x768xf32, #tpu.memory_space<hbm>> -> memref<32x768xf32, #tpu.memory_space<hbm>>
      tpu.wait_dma2 semaphore(%dma_wait3A_83 : memref<!tpu.dma_semaphore, #tpu.memory_space<semaphore_mem>>) src(%dma_wait3A_89 : memref<32x768xf32, #tpu.memory_space<hbm>>) dst(%dma_wait3A_87 : memref<32x768xf32, #tpu.memory_space<vmem>>)
      %dma_wait3A_90 = arith.constant 0 : i32
      %dma_wait3A_91 = arith.constant 0 : i32
      %dma_wait3A_92 = arith.constant 0 : i32
      %dma_wait3A_93 = arith.constant 0 : i32
      %dma_wait3A_94 = tpu.memref_slice %arg8[%dma_wait3A_90, %dma_wait3A_92, %dma_wait3A_93] : memref<2x32x768xf32, #tpu.memory_space<vmem>> -> memref<1x32x768xf32, #tpu.memory_space<vmem>>
      %dma_wait3A_95 = tpu.memref_squeeze %dma_wait3A_94 : memref<1x32x768xf32, #tpu.memory_space<vmem>> -> memref<32x768xf32, #tpu.memory_space<vmem>>
      %dma_wait3A_96 = arith.constant 0 : i32
      %dma_wait3A_97 = tpu.memref_slice %arg6[%add3A_62, %dma_wait3A_96] : memref<32x32xi32, #tpu.memory_space<vmem>> -> memref<1x32xi32, #tpu.memory_space<vmem>>
      %dma_wait3A_98 = tpu.memref_squeeze %dma_wait3A_97 : memref<1x32xi32, #tpu.memory_space<vmem>> -> memref<32xi32, #tpu.memory_space<vmem>>
      %dma_wait3A_99 = arith.constant 0 : i32
      %dma_wait3A_100 = arith.constant 0 : i32
      %dma_wait3A_101 = tpu.memref_slice %arg4[%dma_wait3A_99, %dma_wait3A_100] : memref<8192x768xf32, #tpu.memory_space<hbm>> -> memref<8192x768xf32, #tpu.memory_space<hbm>>
      %dma_wait3A_102 = tpu.memref_slice %arg10[%dma_wait3A_91] : memref<2x!tpu.dma_semaphore, #tpu.memory_space<semaphore_mem>> -> memref<1x!tpu.dma_semaphore, #tpu.memory_space<semaphore_mem>>
      %dma_wait3A_103 = tpu.memref_squeeze %dma_wait3A_102 : memref<1x!tpu.dma_semaphore, #tpu.memory_space<semaphore_mem>> -> memref<!tpu.dma_semaphore, #tpu.memory_space<semaphore_mem>>
      tpu.wait_indirect_dma semaphore(%dma_wait3A_103 : memref<!tpu.dma_semaphore, #tpu.memory_space<semaphore_mem>>) src(%dma_wait3A_101 : memref<8192x768xf32, #tpu.memory_space<hbm>>) dst(%dma_wait3A_95 : memref<32x768xf32, #tpu.memory_space<vmem>>)
      %scan3A_104 = arith.constant 0 : i32
      %scan3A_105 = arith.constant 32 : i32
      %scan3A_106 = arith.addi %scan3A_104, %scan3A_105 : i32
      %scan3A_107 = arith.constant 1 : i32
      scf.for %scan3A_199 = %scan3A_104 to %scan3A_106 step %scan3A_107  : i32 {
        %mul3A_200 = arith.constant 1 : i32
        %mul3A_201 = arith.muli %scan3A_199, %mul3A_200 : i32
        %add3A_202 = arith.constant 0 : i32
        %add3A_203 = arith.addi %add3A_202, %mul3A_201 : i32
        %parallel_loop3A = arith.constant 0 : i32
        %parallel_loop3A_204 = arith.constant 768 : i32
        %parallel_loop3A_205 = arith.constant 16 : i32
        scf.for %parallel_loop3A_206 = %parallel_loop3A to %parallel_loop3A_204 step %parallel_loop3A_205  : i32 {
          %parallel_loop3A_207 = arith.constant 0 : i32
          %parallel_loop3A_208 = arith.index_cast %parallel_loop3A_207 : i32 to index
          %parallel_loop3A_209 = arith.index_cast %add3A_203 : i32 to index
          %parallel_loop3A_210 = arith.index_cast %parallel_loop3A_206 : i32 to index
          %parallel_loop3A_211 = tpu.vector_load %arg7[%parallel_loop3A_208, %parallel_loop3A_209, %parallel_loop3A_210] {strides = array<i32>} : memref<2x32x768xf32, #tpu.memory_space<vmem>>, vector<1x1x16xf32>,
          %parallel_loop3A_212 = vector.shape_cast %parallel_loop3A_211 : vector<1x1x16xf32> to vector<16xf32>
          %parallel_loop3A_213 = arith.constant 0 : i32
          %parallel_loop3A_214 = arith.index_cast %parallel_loop3A_213 : i32 to index
          %parallel_loop3A_215 = arith.index_cast %add3A_203 : i32 to index
          %parallel_loop3A_216 = arith.index_cast %parallel_loop3A_206 : i32 to index
          %parallel_loop3A_217 = tpu.vector_load %arg8[%parallel_loop3A_214, %parallel_loop3A_215, %parallel_loop3A_216] {strides = array<i32>} : memref<2x32x768xf32, #tpu.memory_space<vmem>>, vector<1x1x16xf32>,
          %parallel_loop3A_218 = vector.shape_cast %parallel_loop3A_217 : vector<1x1x16xf32> to vector<16xf32>
          %parallel_loop3A_219 = arith.addf %parallel_loop3A_212, %parallel_loop3A_218 : vector<16xf32>
          %parallel_loop3A_220 = arith.constant 0 : i32
          %parallel_loop3A_221 = arith.index_cast %parallel_loop3A_220 : i32 to index
          %parallel_loop3A_222 = arith.index_cast %add3A_203 : i32 to index
          %parallel_loop3A_223 = arith.index_cast %parallel_loop3A_206 : i32 to index
          %parallel_loop3A_224 = tpu.vector_load %arg7[%parallel_loop3A_221, %parallel_loop3A_222, %parallel_loop3A_223] {strides = array<i32>} : memref<2x32x768xf32, #tpu.memory_space<vmem>>, vector<1x1x16xf32>,
          %parallel_loop3A_225 = vector.shape_cast %parallel_loop3A_224 : vector<1x1x16xf32> to vector<16xf32>
          %parallel_loop3A_226 = vector.shape_cast %parallel_loop3A_219 : vector<16xf32> to vector<1x1x16xf32>
          tpu.vector_store %arg7[%parallel_loop3A_221, %parallel_loop3A_222, %parallel_loop3A_223], %parallel_loop3A_226 {strides = array<i32>} : memref<2x32x768xf32, #tpu.memory_space<vmem>>, vector<1x1x16xf32>,
        } {sc.loop_unroll_factor = 4 : i64, sc.parallel_access}
      }
      %scan3A_108 = arith.constant 32 : i32
      %mul3A_109 = arith.constant 32 : i32
      %mul3A_110 = arith.muli %add3A_62, %mul3A_109 : i32
      %add3A_111 = arith.addi %mul3A_2, %mul3A_110 : i32
      %dma_start3A_112 = arith.constant 0 : i32
      %dma_start3A_113 = arith.constant 0 : i32
      %dma_start3A_114 = arith.constant 0 : i32
      %dma_start3A_115 = arith.constant 0 : i32
      %dma_start3A_116 = tpu.memref_slice %arg7[%dma_start3A_112, %dma_start3A_114, %dma_start3A_115] : memref<2x32x768xf32, #tpu.memory_space<vmem>> -> memref<1x32x768xf32, #tpu.memory_space<vmem>>
      %dma_start3A_117 = tpu.memref_squeeze %dma_start3A_116 : memref<1x32x768xf32, #tpu.memory_space<vmem>> -> memref<32x768xf32, #tpu.memory_space<vmem>>
      %dma_start3A_118 = arith.constant 0 : i32
      %dma_start3A_119 = tpu.memref_slice %arg5[%add3A_111, %dma_start3A_118] : memref<32768x768xf32, #tpu.memory_space<hbm>> -> memref<32x768xf32, #tpu.memory_space<hbm>>
      %dma_start3A_120 = tpu.memref_slice %arg11[%dma_start3A_113] : memref<2x!tpu.dma_semaphore, #tpu.memory_space<semaphore_mem>> -> memref<1x!tpu.dma_semaphore, #tpu.memory_space<semaphore_mem>>
      %dma_start3A_121 = tpu.memref_squeeze %dma_start3A_120 : memref<1x!tpu.dma_semaphore, #tpu.memory_space<semaphore_mem>> -> memref<!tpu.dma_semaphore, #tpu.memory_space<semaphore_mem>>
      %dma_start3A_122 = arith.constant 0 : i32
      %dma_start3A_123 = tpu.memref_slice %arg5[%add3A_111, %dma_start3A_122] : memref<32768x768xf32, #tpu.memory_space<hbm>> -> memref<32x768xf32, #tpu.memory_space<hbm>>
      %dma_start3A_124 = arith.constant 0 : i32
      %dma_start3A_125 = arith.constant 0 : i32
      %dma_start3A_126 = tpu.memref_slice %arg7[%dma_start3A_112, %dma_start3A_124, %dma_start3A_125] : memref<2x32x768xf32, #tpu.memory_space<vmem>> -> memref<1x32x768xf32, #tpu.memory_space<vmem>>
      %dma_start3A_127 = tpu.memref_squeeze %dma_start3A_126 : memref<1x32x768xf32, #tpu.memory_space<vmem>> -> memref<32x768xf32, #tpu.memory_space<vmem>>
      tpu.enqueue_dma source(%dma_start3A_127 : memref<32x768xf32, #tpu.memory_space<vmem>>) target(%dma_start3A_123 : memref<32x768xf32, #tpu.memory_space<hbm>>) target_semaphore(%dma_start3A_121 : memref<!tpu.dma_semaphore, #tpu.memory_space<semaphore_mem>>)
      %add3A_128 = arith.constant 1 : i32
      %add3A_129 = arith.addi %add3A_60, %add3A_128 : i32
      %gt3A_130 = arith.constant 0 : i32
      %gt3A_131 = arith.cmpi sgt, %add3A_129, %gt3A_130 : i32
      %convert_element_type3A_132 = arith.extui %gt3A_131 : i1 to i32
      %cond3A_133 = arith.constant 0 : i32
      %cond3A_134 = arith.cmpi ne, %convert_element_type3A_132, %cond3A_133 : i32
      scf.if %cond3A_134 {
        %sub3A = arith.constant 1 : i32
        %sub3A_199 = arith.subi %add3A_129, %sub3A : i32
        %mul3A_200 = arith.constant 32 : i32
        %mul3A_201 = arith.muli %sub3A_199, %mul3A_200 : i32
        %add3A_202 = arith.addi %mul3A_2, %mul3A_201 : i32
        %dma_wait3A_203 = arith.constant 0 : i32
        %dma_wait3A_204 = arith.constant 0 : i32
        %dma_wait3A_205 = arith.constant 0 : i32
        %dma_wait3A_206 = arith.constant 0 : i32
        %dma_wait3A_207 = tpu.memref_slice %arg7[%dma_wait3A_203, %dma_wait3A_205, %dma_wait3A_206] : memref<2x32x768xf32, #tpu.memory_space<vmem>> -> memref<1x32x768xf32, #tpu.memory_space<vmem>>
        %dma_wait3A_208 = tpu.memref_squeeze %dma_wait3A_207 : memref<1x32x768xf32, #tpu.memory_space<vmem>> -> memref<32x768xf32, #tpu.memory_space<vmem>>
        %dma_wait3A_209 = arith.constant 0 : i32
        %dma_wait3A_210 = tpu.memref_slice %arg5[%add3A_202, %dma_wait3A_209] : memref<32768x768xf32, #tpu.memory_space<hbm>> -> memref<32x768xf32, #tpu.memory_space<hbm>>
        %dma_wait3A_211 = tpu.memref_slice %arg11[%dma_wait3A_204] : memref<2x!tpu.dma_semaphore, #tpu.memory_space<semaphore_mem>> -> memref<1x!tpu.dma_semaphore, #tpu.memory_space<semaphore_mem>>
        %dma_wait3A_212 = tpu.memref_squeeze %dma_wait3A_211 : memref<1x!tpu.dma_semaphore, #tpu.memory_space<semaphore_mem>> -> memref<!tpu.dma_semaphore, #tpu.memory_space<semaphore_mem>>
        %dma_wait3A_213 = arith.constant 0 : i32
        %dma_wait3A_214 = tpu.memref_slice %arg5[%add3A_202, %dma_wait3A_213] : memref<32768x768xf32, #tpu.memory_space<hbm>> -> memref<32x768xf32, #tpu.memory_space<hbm>>
        %dma_wait3A_215 = arith.constant 0 : i32
        %dma_wait3A_216 = arith.constant 0 : i32
        %dma_wait3A_217 = tpu.memref_slice %arg7[%dma_wait3A_203, %dma_wait3A_215, %dma_wait3A_216] : memref<2x32x768xf32, #tpu.memory_space<vmem>> -> memref<1x32x768xf32, #tpu.memory_space<vmem>>
        %dma_wait3A_218 = tpu.memref_squeeze %dma_wait3A_217 : memref<1x32x768xf32, #tpu.memory_space<vmem>> -> memref<32x768xf32, #tpu.memory_space<vmem>>
        tpu.wait_dma2 semaphore(%dma_wait3A_212 : memref<!tpu.dma_semaphore, #tpu.memory_space<semaphore_mem>>) src(%dma_wait3A_218 : memref<32x768xf32, #tpu.memory_space<vmem>>) dst(%dma_wait3A_214 : memref<32x768xf32, #tpu.memory_space<hbm>>)
      } else {
      }
      %add3A_135 = arith.constant 1 : i32
      %add3A_136 = arith.addi %add3A_129, %add3A_135 : i32
      %lt3A_137 = arith.constant 32 : i32
      %lt3A_138 = arith.cmpi slt, %add3A_136, %lt3A_137 : i32
      %convert_element_type3A_139 = arith.extui %lt3A_138 : i1 to i32
      %cond3A_140 = arith.constant 0 : i32
      %cond3A_141 = arith.cmpi ne, %convert_element_type3A_139, %cond3A_140 : i32
      scf.if %cond3A_141 {
        %add3A_199 = arith.constant 1 : i32
        %add3A_200 = arith.addi %add3A_129, %add3A_199 : i32
        %mul3A_201 = arith.constant 32 : i32
        %mul3A_202 = arith.muli %add3A_200, %mul3A_201 : i32
        %add3A_203 = arith.addi %mul3A_2, %mul3A_202 : i32
        %dma_start3A_204 = arith.constant 0 : i32
        %dma_start3A_205 = arith.constant 0 : i32
        %dma_start3A_206 = arith.constant 0 : i32
        %dma_start3A_207 = arith.constant 0 : i32
        %dma_start3A_208 = tpu.memref_slice %arg7[%dma_start3A_204, %dma_start3A_206, %dma_start3A_207] : memref<2x32x768xf32, #tpu.memory_space<vmem>> -> memref<1x32x768xf32, #tpu.memory_space<vmem>>
        %dma_start3A_209 = tpu.memref_squeeze %dma_start3A_208 : memref<1x32x768xf32, #tpu.memory_space<vmem>> -> memref<32x768xf32, #tpu.memory_space<vmem>>
        %dma_start3A_210 = arith.constant 0 : i32
        %dma_start3A_211 = tpu.memref_slice %arg3[%add3A_203, %dma_start3A_210] : memref<32768x768xf32, #tpu.memory_space<hbm>> -> memref<32x768xf32, #tpu.memory_space<hbm>>
        %dma_start3A_212 = tpu.memref_slice %arg9[%dma_start3A_205] : memref<2x!tpu.dma_semaphore, #tpu.memory_space<semaphore_mem>> -> memref<1x!tpu.dma_semaphore, #tpu.memory_space<semaphore_mem>>
        %dma_start3A_213 = tpu.memref_squeeze %dma_start3A_212 : memref<1x!tpu.dma_semaphore, #tpu.memory_space<semaphore_mem>> -> memref<!tpu.dma_semaphore, #tpu.memory_space<semaphore_mem>>
        %dma_start3A_214 = arith.constant 0 : i32
        %dma_start3A_215 = arith.constant 0 : i32
        %dma_start3A_216 = tpu.memref_slice %arg7[%dma_start3A_204, %dma_start3A_214, %dma_start3A_215] : memref<2x32x768xf32, #tpu.memory_space<vmem>> -> memref<1x32x768xf32, #tpu.memory_space<vmem>>
        %dma_start3A_217 = tpu.memref_squeeze %dma_start3A_216 : memref<1x32x768xf32, #tpu.memory_space<vmem>> -> memref<32x768xf32, #tpu.memory_space<vmem>>
        %dma_start3A_218 = arith.constant 0 : i32
        %dma_start3A_219 = tpu.memref_slice %arg3[%add3A_203, %dma_start3A_218] : memref<32768x768xf32, #tpu.memory_space<hbm>> -> memref<32x768xf32, #tpu.memory_space<hbm>>
        tpu.enqueue_dma source(%dma_start3A_219 : memref<32x768xf32, #tpu.memory_space<hbm>>) target(%dma_start3A_217 : memref<32x768xf32, #tpu.memory_space<vmem>>) target_semaphore(%dma_start3A_213 : memref<!tpu.dma_semaphore, #tpu.memory_space<semaphore_mem>>)
        %dma_start3A_220 = arith.constant 0 : i32
        %dma_start3A_221 = arith.constant 0 : i32
        %dma_start3A_222 = arith.constant 0 : i32
        %dma_start3A_223 = arith.constant 0 : i32
        %dma_start3A_224 = tpu.memref_slice %arg8[%dma_start3A_220, %dma_start3A_222, %dma_start3A_223] : memref<2x32x768xf32, #tpu.memory_space<vmem>> -> memref<1x32x768xf32, #tpu.memory_space<vmem>>
        %dma_start3A_225 = tpu.memref_squeeze %dma_start3A_224 : memref<1x32x768xf32, #tpu.memory_space<vmem>> -> memref<32x768xf32, #tpu.memory_space<vmem>>
        %dma_start3A_226 = arith.constant 0 : i32
        %dma_start3A_227 = tpu.memref_slice %arg6[%add3A_200, %dma_start3A_226] : memref<32x32xi32, #tpu.memory_space<vmem>> -> memref<1x32xi32, #tpu.memory_space<vmem>>
        %dma_start3A_228 = tpu.memref_squeeze %dma_start3A_227 : memref<1x32xi32, #tpu.memory_space<vmem>> -> memref<32xi32, #tpu.memory_space<vmem>>
        %dma_start3A_229 = arith.constant 0 : i32
        %dma_start3A_230 = arith.constant 0 : i32
        %dma_start3A_231 = tpu.memref_slice %arg4[%dma_start3A_229, %dma_start3A_230] : memref<8192x768xf32, #tpu.memory_space<hbm>> -> memref<8192x768xf32, #tpu.memory_space<hbm>>
        %dma_start3A_232 = tpu.memref_slice %arg10[%dma_start3A_221] : memref<2x!tpu.dma_semaphore, #tpu.memory_space<semaphore_mem>> -> memref<1x!tpu.dma_semaphore, #tpu.memory_space<semaphore_mem>>
        %dma_start3A_233 = tpu.memref_squeeze %dma_start3A_232 : memref<1x!tpu.dma_semaphore, #tpu.memory_space<semaphore_mem>> -> memref<!tpu.dma_semaphore, #tpu.memory_space<semaphore_mem>>
        tpu.enqueue_indirect_dma source(%dma_start3A_231 : memref<8192x768xf32, #tpu.memory_space<hbm>>) target(%dma_start3A_225 : memref<32x768xf32, #tpu.memory_space<vmem>>) offsets(%dma_start3A_228 : memref<32xi32, #tpu.memory_space<vmem>>) semaphore(%dma_start3A_233 : memref<!tpu.dma_semaphore, #tpu.memory_space<semaphore_mem>>)
      } else {
      }
      %mul3A_142 = arith.constant 32 : i32
      %mul3A_143 = arith.muli %add3A_129, %mul3A_142 : i32
      %add3A_144 = arith.addi %mul3A_2, %mul3A_143 : i32
      %dma_wait3A_145 = arith.constant 1 : i32
      %dma_wait3A_146 = arith.constant 1 : i32
      %dma_wait3A_147 = arith.constant 0 : i32
      %dma_wait3A_148 = arith.constant 0 : i32
      %dma_wait3A_149 = tpu.memref_slice %arg7[%dma_wait3A_145, %dma_wait3A_147, %dma_wait3A_148] : memref<2x32x768xf32, #tpu.memory_space<vmem>> -> memref<1x32x768xf32, #tpu.memory_space<vmem>>
      %dma_wait3A_150 = tpu.memref_squeeze %dma_wait3A_149 : memref<1x32x768xf32, #tpu.memory_space<vmem>> -> memref<32x768xf32, #tpu.memory_space<vmem>>
      %dma_wait3A_151 = arith.constant 0 : i32
      %dma_wait3A_152 = tpu.memref_slice %arg3[%add3A_144, %dma_wait3A_151] : memref<32768x768xf32, #tpu.memory_space<hbm>> -> memref<32x768xf32, #tpu.memory_space<hbm>>
      %dma_wait3A_153 = tpu.memref_slice %arg9[%dma_wait3A_146] : memref<2x!tpu.dma_semaphore, #tpu.memory_space<semaphore_mem>> -> memref<1x!tpu.dma_semaphore, #tpu.memory_space<semaphore_mem>>
      %dma_wait3A_154 = tpu.memref_squeeze %dma_wait3A_153 : memref<1x!tpu.dma_semaphore, #tpu.memory_space<semaphore_mem>> -> memref<!tpu.dma_semaphore, #tpu.memory_space<semaphore_mem>>
      %dma_wait3A_155 = arith.constant 0 : i32
      %dma_wait3A_156 = arith.constant 0 : i32
      %dma_wait3A_157 = tpu.memref_slice %arg7[%dma_wait3A_145, %dma_wait3A_155, %dma_wait3A_156] : memref<2x32x768xf32, #tpu.memory_space<vmem>> -> memref<1x32x768xf32, #tpu.memory_space<vmem>>
      %dma_wait3A_158 = tpu.memref_squeeze %dma_wait3A_157 : memref<1x32x768xf32, #tpu.memory_space<vmem>> -> memref<32x768xf32, #tpu.memory_space<vmem>>
      %dma_wait3A_159 = arith.constant 0 : i32
      %dma_wait3A_160 = tpu.memref_slice %arg3[%add3A_144, %dma_wait3A_159] : memref<32768x768xf32, #tpu.memory_space<hbm>> -> memref<32x768xf32, #tpu.memory_space<hbm>>
      tpu.wait_dma2 semaphore(%dma_wait3A_154 : memref<!tpu.dma_semaphore, #tpu.memory_space<semaphore_mem>>) src(%dma_wait3A_160 : memref<32x768xf32, #tpu.memory_space<hbm>>) dst(%dma_wait3A_158 : memref<32x768xf32, #tpu.memory_space<vmem>>)
      %dma_wait3A_161 = arith.constant 1 : i32
      %dma_wait3A_162 = arith.constant 1 : i32
      %dma_wait3A_163 = arith.constant 0 : i32
      %dma_wait3A_164 = arith.constant 0 : i32
      %dma_wait3A_165 = tpu.memref_slice %arg8[%dma_wait3A_161, %dma_wait3A_163, %dma_wait3A_164] : memref<2x32x768xf32, #tpu.memory_space<vmem>> -> memref<1x32x768xf32, #tpu.memory_space<vmem>>
      %dma_wait3A_166 = tpu.memref_squeeze %dma_wait3A_165 : memref<1x32x768xf32, #tpu.memory_space<vmem>> -> memref<32x768xf32, #tpu.memory_space<vmem>>
      %dma_wait3A_167 = arith.constant 0 : i32
      %dma_wait3A_168 = tpu.memref_slice %arg6[%add3A_129, %dma_wait3A_167] : memref<32x32xi32, #tpu.memory_space<vmem>> -> memref<1x32xi32, #tpu.memory_space<vmem>>
      %dma_wait3A_169 = tpu.memref_squeeze %dma_wait3A_168 : memref<1x32xi32, #tpu.memory_space<vmem>> -> memref<32xi32, #tpu.memory_space<vmem>>
      %dma_wait3A_170 = arith.constant 0 : i32
      %dma_wait3A_171 = arith.constant 0 : i32
      %dma_wait3A_172 = tpu.memref_slice %arg4[%dma_wait3A_170, %dma_wait3A_171] : memref<8192x768xf32, #tpu.memory_space<hbm>> -> memref<8192x768xf32, #tpu.memory_space<hbm>>
      %dma_wait3A_173 = tpu.memref_slice %arg10[%dma_wait3A_162] : memref<2x!tpu.dma_semaphore, #tpu.memory_space<semaphore_mem>> -> memref<1x!tpu.dma_semaphore, #tpu.memory_space<semaphore_mem>>
      %dma_wait3A_174 = tpu.memref_squeeze %dma_wait3A_173 : memref<1x!tpu.dma_semaphore, #tpu.memory_space<semaphore_mem>> -> memref<!tpu.dma_semaphore, #tpu.memory_space<semaphore_mem>>
      tpu.wait_indirect_dma semaphore(%dma_wait3A_174 : memref<!tpu.dma_semaphore, #tpu.memory_space<semaphore_mem>>) src(%dma_wait3A_172 : memref<8192x768xf32, #tpu.memory_space<hbm>>) dst(%dma_wait3A_166 : memref<32x768xf32, #tpu.memory_space<vmem>>)
      %scan3A_175 = arith.constant 0 : i32
      %scan3A_176 = arith.constant 32 : i32
      %scan3A_177 = arith.addi %scan3A_175, %scan3A_176 : i32
      %scan3A_178 = arith.constant 1 : i32
      scf.for %scan3A_199 = %scan3A_175 to %scan3A_177 step %scan3A_178  : i32 {
        %mul3A_200 = arith.constant 1 : i32
        %mul3A_201 = arith.muli %scan3A_199, %mul3A_200 : i32
        %add3A_202 = arith.constant 0 : i32
        %add3A_203 = arith.addi %add3A_202, %mul3A_201 : i32
        %parallel_loop3A = arith.constant 0 : i32
        %parallel_loop3A_204 = arith.constant 768 : i32
        %parallel_loop3A_205 = arith.constant 16 : i32
        scf.for %parallel_loop3A_206 = %parallel_loop3A to %parallel_loop3A_204 step %parallel_loop3A_205  : i32 {
          %parallel_loop3A_207 = arith.constant 1 : i32
          %parallel_loop3A_208 = arith.index_cast %parallel_loop3A_207 : i32 to index
          %parallel_loop3A_209 = arith.index_cast %add3A_203 : i32 to index
          %parallel_loop3A_210 = arith.index_cast %parallel_loop3A_206 : i32 to index
          %parallel_loop3A_211 = tpu.vector_load %arg7[%parallel_loop3A_208, %parallel_loop3A_209, %parallel_loop3A_210] {strides = array<i32>} : memref<2x32x768xf32, #tpu.memory_space<vmem>>, vector<1x1x16xf32>,
          %parallel_loop3A_212 = vector.shape_cast %parallel_loop3A_211 : vector<1x1x16xf32> to vector<16xf32>
          %parallel_loop3A_213 = arith.constant 1 : i32
          %parallel_loop3A_214 = arith.index_cast %parallel_loop3A_213 : i32 to index
          %parallel_loop3A_215 = arith.index_cast %add3A_203 : i32 to index
          %parallel_loop3A_216 = arith.index_cast %parallel_loop3A_206 : i32 to index
          %parallel_loop3A_217 = tpu.vector_load %arg8[%parallel_loop3A_214, %parallel_loop3A_215, %parallel_loop3A_216] {strides = array<i32>} : memref<2x32x768xf32, #tpu.memory_space<vmem>>, vector<1x1x16xf32>,
          %parallel_loop3A_218 = vector.shape_cast %parallel_loop3A_217 : vector<1x1x16xf32> to vector<16xf32>
          %parallel_loop3A_219 = arith.addf %parallel_loop3A_212, %parallel_loop3A_218 : vector<16xf32>
          %parallel_loop3A_220 = arith.constant 1 : i32
          %parallel_loop3A_221 = arith.index_cast %parallel_loop3A_220 : i32 to index
          %parallel_loop3A_222 = arith.index_cast %add3A_203 : i32 to index
          %parallel_loop3A_223 = arith.index_cast %parallel_loop3A_206 : i32 to index
          %parallel_loop3A_224 = tpu.vector_load %arg7[%parallel_loop3A_221, %parallel_loop3A_222, %parallel_loop3A_223] {strides = array<i32>} : memref<2x32x768xf32, #tpu.memory_space<vmem>>, vector<1x1x16xf32>,
          %parallel_loop3A_225 = vector.shape_cast %parallel_loop3A_224 : vector<1x1x16xf32> to vector<16xf32>
          %parallel_loop3A_226 = vector.shape_cast %parallel_loop3A_219 : vector<16xf32> to vector<1x1x16xf32>
          tpu.vector_store %arg7[%parallel_loop3A_221, %parallel_loop3A_222, %parallel_loop3A_223], %parallel_loop3A_226 {strides = array<i32>} : memref<2x32x768xf32, #tpu.memory_space<vmem>>, vector<1x1x16xf32>,
        } {sc.loop_unroll_factor = 4 : i64, sc.parallel_access}
      }
      %scan3A_179 = arith.constant 32 : i32
      %mul3A_180 = arith.constant 32 : i32
      %mul3A_181 = arith.muli %add3A_129, %mul3A_180 : i32
      %add3A_182 = arith.addi %mul3A_2, %mul3A_181 : i32
      %dma_start3A_183 = arith.constant 1 : i32
      %dma_start3A_184 = arith.constant 1 : i32
      %dma_start3A_185 = arith.constant 0 : i32
      %dma_start3A_186 = arith.constant 0 : i32
      %dma_start3A_187 = tpu.memref_slice %arg7[%dma_start3A_183, %dma_start3A_185, %dma_start3A_186] : memref<2x32x768xf32, #tpu.memory_space<vmem>> -> memref<1x32x768xf32, #tpu.memory_space<vmem>>
      %dma_start3A_188 = tpu.memref_squeeze %dma_start3A_187 : memref<1x32x768xf32, #tpu.memory_space<vmem>> -> memref<32x768xf32, #tpu.memory_space<vmem>>
      %dma_start3A_189 = arith.constant 0 : i32
      %dma_start3A_190 = tpu.memref_slice %arg5[%add3A_182, %dma_start3A_189] : memref<32768x768xf32, #tpu.memory_space<hbm>> -> memref<32x768xf32, #tpu.memory_space<hbm>>
      %dma_start3A_191 = tpu.memref_slice %arg11[%dma_start3A_184] : memref<2x!tpu.dma_semaphore, #tpu.memory_space<semaphore_mem>> -> memref<1x!tpu.dma_semaphore, #tpu.memory_space<semaphore_mem>>
      %dma_start3A_192 = tpu.memref_squeeze %dma_start3A_191 : memref<1x!tpu.dma_semaphore, #tpu.memory_space<semaphore_mem>> -> memref<!tpu.dma_semaphore, #tpu.memory_space<semaphore_mem>>
      %dma_start3A_193 = arith.constant 0 : i32
      %dma_start3A_194 = tpu.memref_slice %arg5[%add3A_182, %dma_start3A_193] : memref<32768x768xf32, #tpu.memory_space<hbm>> -> memref<32x768xf32, #tpu.memory_space<hbm>>
      %dma_start3A_195 = arith.constant 0 : i32
      %dma_start3A_196 = arith.constant 0 : i32
      %dma_start3A_197 = tpu.memref_slice %arg7[%dma_start3A_183, %dma_start3A_195, %dma_start3A_196] : memref<2x32x768xf32, #tpu.memory_space<vmem>> -> memref<1x32x768xf32, #tpu.memory_space<vmem>>
      %dma_start3A_198 = tpu.memref_squeeze %dma_start3A_197 : memref<1x32x768xf32, #tpu.memory_space<vmem>> -> memref<32x768xf32, #tpu.memory_space<vmem>>
      tpu.enqueue_dma source(%dma_start3A_198 : memref<32x768xf32, #tpu.memory_space<vmem>>) target(%dma_start3A_194 : memref<32x768xf32, #tpu.memory_space<hbm>>) target_semaphore(%dma_start3A_192 : memref<!tpu.dma_semaphore, #tpu.memory_space<semaphore_mem>>)
    }
    %scan3A_38 = arith.constant 16 : i32
    %add3A_39 = arith.constant 992 : i32
    %add3A_40 = arith.addi %mul3A_2, %add3A_39 : i32
    %dma_wait3A = arith.constant 1 : i32
    %dma_wait3A_41 = arith.constant 1 : i32
    %dma_wait3A_42 = arith.constant 0 : i32
    %dma_wait3A_43 = arith.constant 0 : i32
    %dma_wait3A_44 = tpu.memref_slice %arg7[%dma_wait3A, %dma_wait3A_42, %dma_wait3A_43] : memref<2x32x768xf32, #tpu.memory_space<vmem>> -> memref<1x32x768xf32, #tpu.memory_space<vmem>>
    %dma_wait3A_45 = tpu.memref_squeeze %dma_wait3A_44 : memref<1x32x768xf32, #tpu.memory_space<vmem>> -> memref<32x768xf32, #tpu.memory_space<vmem>>
    %dma_wait3A_46 = arith.constant 0 : i32
    %dma_wait3A_47 = tpu.memref_slice %arg5[%add3A_40, %dma_wait3A_46] : memref<32768x768xf32, #tpu.memory_space<hbm>> -> memref<32x768xf32, #tpu.memory_space<hbm>>
    %dma_wait3A_48 = tpu.memref_slice %arg11[%dma_wait3A_41] : memref<2x!tpu.dma_semaphore, #tpu.memory_space<semaphore_mem>> -> memref<1x!tpu.dma_semaphore, #tpu.memory_space<semaphore_mem>>
    %dma_wait3A_49 = tpu.memref_squeeze %dma_wait3A_48 : memref<1x!tpu.dma_semaphore, #tpu.memory_space<semaphore_mem>> -> memref<!tpu.dma_semaphore, #tpu.memory_space<semaphore_mem>>
    %dma_wait3A_50 = arith.constant 0 : i32
    %dma_wait3A_51 = tpu.memref_slice %arg5[%add3A_40, %dma_wait3A_50] : memref<32768x768xf32, #tpu.memory_space<hbm>> -> memref<32x768xf32, #tpu.memory_space<hbm>>
    %dma_wait3A_52 = arith.constant 0 : i32
    %dma_wait3A_53 = arith.constant 0 : i32
    %dma_wait3A_54 = tpu.memref_slice %arg7[%dma_wait3A, %dma_wait3A_52, %dma_wait3A_53] : memref<2x32x768xf32, #tpu.memory_space<vmem>> -> memref<1x32x768xf32, #tpu.memory_space<vmem>>
    %dma_wait3A_55 = tpu.memref_squeeze %dma_wait3A_54 : memref<1x32x768xf32, #tpu.memory_space<vmem>> -> memref<32x768xf32, #tpu.memory_space<vmem>>
    tpu.wait_dma2 semaphore(%dma_wait3A_49 : memref<!tpu.dma_semaphore, #tpu.memory_space<semaphore_mem>>) src(%dma_wait3A_55 : memref<32x768xf32, #tpu.memory_space<vmem>>) dst(%dma_wait3A_51 : memref<32x768xf32, #tpu.memory_space<hbm>>)
    return
  }
}

</mosaic_0001>

<sc_bundles>
// kernel: kernel.3.cloned.1.call-start
scs
__scs_entry_jumppad:
0x0: {  	(pc) =	sbr.rel $0x88, $3  }
0x1: {  	(tag) =	ssettag $0x0;
	lr =	simm.s32 $0x1  }
0x2: {  	[smem:$0x3F9E] =	sst lr;
	_ =	strace $0xD0000000  }
0x3: {  	_ = 	snop  }
0x4: {  	_ = 	snop  }
0x5: {  	_ = 	snop  }
0x6: {  	_ = 	snop  }
0x7: {  	_ = 	snop  }
__scs_overlays_trampoline_lowered:
0x8: {  	[smem:$0x3FAD] =	sst s0  }
0x9: {  	[smem:$0x3FAE] =	sst s1  }
0xa: {  	[smem:$0x3FAF] =	sst s2  }
0xb: {  	[smem:$0x3FB0] =	sst s3  }
0xc: {  	[smem:$0x3FB1] =	sst s4  }
0xd: {  	[smem:$0x3FB2] =	sst s5  }
0xe: {  	[smem:$0x3FB3] =	sst s6  }
0xf: {  	[smem:$0x3FB4] =	sst s7  }
0x10: {  	[smem:$0x3FB5] =	sst s8  }
0x11: {  	[smem:$0x3FB6] =	sst s9;
	s0 =	simm.s32 @!p0 $0x0  }
0x12: {  	s1 =	sld [smem:$0x3F9C];
	s0 =	simm.s32 @p0 $0x1  }
0x13: {  	[smem:$0x3FB7] =	sst s0;
	s0 =	simm.s32 @!p1 $0x0  }
0x14: {  	s2 =	sld [smem:$0x3F9B];
	s0 =	simm.s32 @p1 $0x1  }
0x15: {  	[smem:$0x3FB8] =	sst s0;
	s0 =	simm.s32 @!p2 $0x0  }
0x16: {  	s3 =	sld [smem:$0x3FDB];
	s0 =	simm.s32 @p2 $0x1  }
0x17: {  	s4 =	simm.s32 $0x1BF5;
	[smem:$0x3FBA] =	sst s0  }
0x18: {  	s0 =	sld [smem:$0x3F9D];
	_ =	swait.ge [sflag:s4], $0x0  }
0x19: {  	s7 =	sld [smem:$0x3F9E]  }
0x1a: {  	s8 =	sadd.s32 $0xFFFFE003, lr  }
0x1b: {  	s9 =	sadd.s32 $0xFFFFFEF7, lr;
	s5 =	simm.s32 $0xFFFFFFFF;
	p2 =	slt.u32 s8, $0xFFFFF086  }
0x1c: {  	p1 =	slt.u32 s9, $0xF7A;
	s5 =	simm.s32 @!p2 $0x0  }
0x1d: {  	s5 =	simm.s32 @p1 $0x1;
	p0 =	seq.s32 s7, s2  }
0x1e: {  	s7 =	smul.u32 @!p0 $0xF7A, s2;
	p2 =	seq.s32 @!p0 s5, $0x0  }
0x1f: {  	s9 =	smul.u32 $0xF7A, s1;
	s8 =	simm.s32 @!p0 $0x1BF5;
	p2 =	por !p2, p0  }
0x20: {  	[sflag:s8] =	ssyncset.s32 @!p0 $0xFFFFF086;
	s6 =	sadd.s32 @!p0 s3, s7;
	s7 =	simm.s32 @!p0 $0x108  }
0x21: {  	s3 =	sadd.s32 s3, s9;
	s6 =	sadd.s32 @!p0 $0x88, s6;
	s7 =	simm.s32 @p2 $0x1082  }
0x22: {  	[simem:s7], [sflag:s8] =	dma.local @!p0 [hbm:s6], $0xF7A  }
0x23: {  	s9 =	sor.u32 $0xD0000000, s2;
	s6 =	simm.s32 $0x108;
	_ =	swait.ge @!p0 [sflag:s8], $0x0  }
0x24: {  	s3 =	sadd.s32 $0x88, s3;
	s6 =	simm.s32 @!p1 $0x1082;
	[sflag:s4] =	ssyncset.s32 $0xFFFFF086  }
0x25: {  	[simem:s6], [sflag:s4] =	dma.local [hbm:s3], $0xF7A  }
0x26: {  	[smem:$0x3F9E] =	sst s1;
	(tag) =	ssettag s2;
	_ =	strace s9  }
0x27: {  	s1 =	sld [smem:$0x3FAE]  }
0x28: {  	s2 =	sld [smem:$0x3FAF]  }
0x29: {  	s4 =	sld [smem:$0x3FB1]  }
0x2a: {  	p0 =	seq.s32 s5, $0x0;
	s5 =	sld [smem:$0x3FB2]  }
0x2b: {  	s6 =	sld [smem:$0x3FB3]  }
0x2c: {  	s7 =	sld [smem:$0x3FB4]  }
0x2d: {  	s3 =	simm.s32 $0x108;
	s8 =	sld [smem:$0x3FB5]  }
0x2e: {  	s3 =	simm.s32 @!p0 $0x1082;
	s9 =	sld [smem:$0x3FB6]  }
0x2f: {  	lr =	sadd.s32 s0, s3;
	s0 =	sld [smem:$0x3FAD]  }
0x30: {  	s3 =	sld [smem:$0x3FB0]  }
0x31: {  	[smem:$0x3FB9] =	sst s10  }
0x32: {  	s10 =	sld [smem:$0x3FB7];
	_ =	sdelay $0x3  }
0x33: {  	p0 =	seq.s32 s10, $0x1;
	s10 =	sld [smem:$0x3FB9];
	_ =	sdelay $0x3  }
0x34: {  	[smem:$0x3FB9] =	sst s10  }
0x35: {  	s10 =	sld [smem:$0x3FB8];
	_ =	sdelay $0x3  }
0x36: {  	p1 =	seq.s32 s10, $0x1;
	s10 =	sld [smem:$0x3FB9];
	_ =	sdelay $0x3  }
0x37: {  	[smem:$0x3FB9] =	sst s10  }
0x38: {  	s10 =	sld [smem:$0x3FBA]  }
0x39: {  	_ = 	snop;
	(pc) =	sbr.ind lr, $3  }
0x3a: {  	_ = 	snop  }
0x3b: {  	_ = 	snop  }
0x3c: {  	p2 =	seq.s32 s10, $0x1;
	s10 =	sld [smem:$0x3FB9]  }
0x3d: {  	_ =	shalt  }
0x3e: {  	_ =	shalt  }
0x3f: {  	_ =	shalt  }
0x40: {  	_ =	shalt  }
0x41: {  	_ =	shalt  }
0x42: {  	_ =	shalt  }
0x43: {  	_ =	shalt  }
0x44: {  	_ =	shalt  }
0x45: {  	_ =	shalt  }
0x46: {  	_ =	shalt  }
0x47: {  	_ =	shalt  }
0x48: {  	_ =	shalt  }
0x49: {  	_ =	shalt  }
0x4a: {  	_ =	shalt  }
0x4b: {  	_ =	shalt  }
0x4c: {  	_ =	shalt  }
0x4d: {  	_ =	shalt  }
0x4e: {  	_ =	shalt  }
0x4f: {  	_ =	shalt  }
0x50: {  	_ =	shalt  }
0x51: {  	_ =	shalt  }
0x52: {  	_ =	shalt  }
0x53: {  	_ =	shalt  }
0x54: {  	_ =	shalt  }
0x55: {  	_ =	shalt  }
0x56: {  	_ =	shalt  }
0x57: {  	_ =	shalt  }
0x58: {  	_ =	shalt  }
0x59: {  	_ =	shalt  }
0x5a: {  	_ =	shalt  }
0x5b: {  	_ =	shalt  }
0x5c: {  	_ =	shalt  }
0x5d: {  	_ =	shalt  }
0x5e: {  	_ =	shalt  }
0x5f: {  	_ =	shalt  }
0x60: {  	_ =	shalt  }
0x61: {  	_ =	shalt  }
0x62: {  	_ =	shalt  }
0x63: {  	_ =	shalt  }
0x64: {  	_ =	shalt  }
0x65: {  	_ =	shalt  }
0x66: {  	_ =	shalt  }
0x67: {  	_ =	shalt  }
0x68: {  	_ =	shalt  }
0x69: {  	_ =	shalt  }
0x6a: {  	_ =	shalt  }
0x6b: {  	_ =	shalt  }
0x6c: {  	_ =	shalt  }
0x6d: {  	_ =	shalt  }
0x6e: {  	_ =	shalt  }
0x6f: {  	_ =	shalt  }
0x70: {  	_ =	shalt  }
0x71: {  	_ =	shalt  }
0x72: {  	_ =	shalt  }
0x73: {  	_ =	shalt  }
0x74: {  	_ =	shalt  }
0x75: {  	_ =	shalt  }
0x76: {  	_ =	shalt  }
0x77: {  	_ =	shalt  }
0x78: {  	_ =	shalt  }
0x79: {  	_ =	shalt  }
0x7a: {  	_ =	shalt  }
0x7b: {  	_ =	shalt  }
0x7c: {  	_ =	shalt  }
0x7d: {  	_ =	shalt  }
0x7e: {  	_ =	shalt  }
0x7f: {  	_ =	shalt  }
0x80: {  	_ =	shalt  }
0x81: {  	_ =	shalt  }
0x82: {  	_ =	shalt  }
0x83: {  	_ =	shalt  }
0x84: {  	_ =	shalt  }
0x85: {  	_ =	shalt  }
0x86: {  	_ =	shalt  }
0x87: {  	_ =	shalt  }
.Lfunc_end0:
.L_simem_size_0:
called_computation_lowered:
.L_overlay_start_0:
0x88: {  	s2 =	sld [smem:$0x3FD9]  }
0x89: {  	s3 =	sld [smem:$0x3FFE];
	_ =	sdelay $0x1  }
0x8a: {  	s1 =	srdreg.scid  }
0x8b: {  	s0 =	sand.u32 $0x1, s1  }
0x8c: {  	s17 =	sshll.u32 s0, $0xA;
	s2 =	sadd.s32 s3, s2  }
0x8d: {  	s2 =	sadd.s32 s2, s17  }
0x8e: {  	[smem:$0x3FC5] =	sst s2  }
0x8f: {  	_ = 	snop  }
0x90: {  	s2 =	sld [smem:$0x3FC9]  }
0x91: {  	s18 =	sld [smem:$0x3FC7]  }
0x92: {  	s4 =	sld [smem:$0x3FD0];
	(tm) =	ssettm $0x1  }
0x93: {  	s5 =	sld [smem:$0x3FFB];
	_ =	sdelay $0x3  }
0x94: {  	_ =	strace s5  }
0x95: {  	s5 =	sld [smem:$0x3FFC];
	_ =	sdelay $0x3  }
0x96: {  	_ =	strace s5  }
0x97: {  	s5 =	sld [smem:$0x3FFD];
	_ =	sdelay $0x3  }
0x98: {  	_ =	strace s5  }
0x99: {  	_ =	strace $0x8FFFFFFF  }
0x9a: {  	s19 =	sld [smem:$0x3FDB];
	_ =	sdelay $0x1  }
0x9b: {  	s6 =	simm.s32 $_scs_section_size  }
0x9c: {  	s7 =	simm.s32 $_size__tile_overlayer_lowered;
	s8 =	simm.s32 $_tile_overlayer_lowered  }
0x9d: {  	s22 =	simm.s32 $0x1BFF;
	s21 =	sshll.u32 s8, $0x1;
	s5 =	sadd.s32 s6, s19  }
0x9e: {  	s9 =	simm.s32 $0x0;
	s20 =	sshll.u32 s7, $0x1;
	s7 =	sadd.s32 s21, s5  }
0x9f: {  	[timem:s9], [sflag:s22] =	dma.local [hbm:s7], s20  }
0xa0: {  	_ =	swait.ge [sflag:s22], s20  }
0xa1: {  	s6 =	ssub.s32 $0x0, s20;
	[sflag:s22] =	ssyncset.done $0x0  }
0xa2: {  	[sflag:s22] =	ssyncadd.s32 s6;
	_ =	sdelay $0x1  }
0xa3: {  	s23 =	simm.s32 $0x1B8B  }
0xa4: {  	_ =	swait.ge [sflag:s23], $0x1  }
0xa5: {  	[sflag:s23] =	ssyncset.done $0x0  }
0xa6: {  	s25 =	simm.s32 $0x1B8E;
	s24 =	sld [smem:$0x3FFE];
	[sflag:s23] =	ssyncadd.s32 $0xFFFFFFFF  }
0xa7: {  	s26 =	simm.s32 $execute0_lowered;
	[smem:$0x3FD2] =	sst s25  }
0xa8: {  	s7 =	sshll.u32 s26, $0x1;
	_ =	strace $0x80000046;
	[dreg:$0x1] =	wrdreg $0xFFFFFFFF  }
0xa9: {  	s28 =	simm.s32 $_size_execute0_lowered;
	s5 =	sadd.s32 s5, s7;
	[dreg:$0x0] =	wrdreg $0x0  }
0xaa: {  	s7 =	sshll.u32 s28, $0x1;
	[dreg:$0x2] =	wrdreg s5  }
0xab: {  	[dreg:$0x3] =	wrdreg s7  }
0xac: {  	[dreg:$0x4] =	wrdreg $0xC0  }
0xad: {  	_ =	task [dreg:s9], $0x5FFFF  }
0xae: {  	[dreg:$0x1] =	wrdreg $0xFFFFFFFF  }
0xaf: {  	[dreg:$0x0] =	wrdreg $0x60  }
0xb0: {  	[dreg:$0x2] =	wrdreg s24  }
0xb1: {  	[dreg:$0x3] =	wrdreg s2  }
0xb2: {  	[dreg:$0x4] =	wrdreg s18  }
0xb3: {  	[dreg:$0x5] =	wrdreg s4  }
0xb4: {  	[dreg:$0x6] =	wrdreg $0x9  }
0xb5: {  	_ =	task.clear_ibuf [dreg:s9], $0x7FFFF;
	_ =	strace $0x90000046  }
0xb6: {  	s29 =	simm.s32 $0x9;
	_ =	strace $0x80000048  }
0xb7: {  	_ =	swait.ge [sflag:s29], $0x1  }
0xb8: {  	[sflag:s29] =	ssyncadd.s32 $0xFFFFFFFF  }
0xb9: {  	_ =	strace $0x90000048  }
0xba: {  	_ =	sfence  }
0xbb: {  	s30 =	sld [smem:$0x0];
	_ =	sdelay $0x2  }
0xbc: {  	s31 =	sshll.u32 s1, $0xD;
	s1 =	sshrl.u32 s1, $0x2  }
0xbd: {  	s3 =	sand.u32 $0x4000, s31;
	s1 =	sadd.s32 s1, s30  }
0xbe: {  	s0 =	sor.u32 s3, s0;
	s1 =	sshll.u32 s1, $0x11  }
0xbf: {  	s0 =	sor.u32 s1, s0  }
0xc0: {  	s0 =	sadd.s32 $0x8F2B, s0  }
0xc1: {  	[sflag:s0] =	ssyncadd.remote.s32 $0x1  }
0xc2: {  	_ =	sfence.sel $0xFFFF  }
0xc3: {  	[dreg:$0x0] =	wrdreg $0xFFFFFFFF;
	(pc) =	sbr.abs _section_cstart, $3  }
0xc4: {  	[dreg:$0x1] =	wrdreg $0xFFFFFFFF  }
0xc5: {  	_ =	task.clear_ibuf [dreg:s9], $0x2FFFF;
	_ =	strace $0x9FFFFFFF  }
0xc6: {  	(tm) =	ssettm $0x7FFFFFFF  }
0xc7: {  	_ =	shalt  }
tec
execute0_lowered:
.L_overlay_start_1:
0x0: {  	(tag) =	ssettag $0x1  }
0x1: {  	s0 =	rddreg [dreg:$0x0]  }
0x2: {  	s31 =	rddreg [dreg:$0x1]  }
0x3: {  	s2 =	rddreg [dreg:$0x2];
	s4 =	simm.s32 $0x0;
	s3 =	srdreg.scid  }
0x4: {  	s1 =	stileid.u32;
	s21 =	simm.s32 $0x3;
	s22 =	simm.s32 $0x5  }
0x5: {  	s23 =	simm.s32 $0x2;
	s3 =	sand.u32 $0x1, s3;
	s6 =	sshll.u32 s1, $0x1  }
0x6: {  	s24 =	simm.s32 $0x4;
	[smem:$0x7FF] =	sst s4;
	s6 =	sor.u32 s3, s6  }
0x7: {  	s10 =	sadd.s32 $0x200, s2;
	s4 =	simm.s32 $0x7000;
	s7 =	sshll.u32 s6, $0x9  }
0x8: {  	s3 =	ssub.s32 $0x2, s3;
	s9 =	smul.u32 $0x18000, s6;
	s0 =	sadd.s32 s7, s0  }
0x9: {  	_ =	strace $0x80000047;
	s8 =	sshrl.u32 s3, $0x1;
	s0 =	sadd.s32 $0x400, s0  }
0xa: {  	v2 =	vlaneseq.u32;
	s3 =	ssub.s32 s3, s8;
	s29 =	sadd.s32 s31, s9;
	[dreg:$0x5] =	wrdreg s0  }
0xb: {  	vm0 =	vmmov $0xffff;
	v1 =	vshrl.u32 v2, $0x3;
	s6 =	sshll.u32 s6, $0xA;
	s30 =	smax.u32 s3, $0x1;
	[dreg:$0x6] =	wrdreg s29  }
0xc: {  	v0 =	vand.u32 $0x7, v2;
	v2 =	vor.u32 $0x8, v2;
	v1 =	vmul.u32 $0x8, v1;
	s9 =	sadd.s32 $0x100, s2;
	s3 =	simm.s32 $0x0;
	[dreg:$0x7] =	wrdreg s30  }
.LBB2_1:
0xd: {  	[dreg:$0x8] =	wrdreg s3  }
0xe: {  	s0 =	simm.s32 $0x0;
	s1 =	rddreg [dreg:$0x5];
	s11 =	simm.s32 $0x7  }
0xf: {  	[tilespmem:s0], [sflag:$0x7] =	stream.linear.gather [hbm4b:s1+s0], $0x1000, $0x38;
	[tilespmem:$0x19000] =	vst v63  }
0x10: {  	_ =	swait.ge [sflag:s11], $0x1000  }
0x11: {  	[sflag:s11] =	ssyncset.done $0x0  }
0x12: {  	s13 =	simm.s32 $0x1000;
	s12 =	rddreg [dreg:$0x6];
	[sflag:s11] =	ssyncadd.s32 $0xFFFFF000  }
0x13: {  	[tilespmem:s13], [sflag:$0x1] =	stream.linear.gather [hbm4b:s12+s0], $0x6000, $0x38;
	[tilespmem:$0x19000] =	vst v63  }
0x14: {  	v3 =	vld [tilespmem:$0x0];
	_ =	sdelay $0x4  }
0x15: {  	v4 =	vshrl.u32 v3, $0x3  }
0x16: {  	v4 =	vmul.u32 $0x30, v4  }
0x17: {  	v3 =	vand.u32 $0x7, v3  }
0x18: {  	v3 =	vor.u32 v3, v4  }
0x19: {  	v4 =	vperm.xlane v3, v0;
	_ =	sdelay $0x1  }
0x1a: {  	v4 =	vadd.s32 v1, v4;
	_ =	sdelay $0x3  }
0x1b: {  	s14 =	simm.s32 $0xD000;
	v3 =	vperm.xlane v3, v2  }
0x1c: {  	[tilespmem:s14], [sflag:$0x3] =	stream.indirect_vreg.gather [hbm4b:s2+s0], $0x80, v4, vm0, $0xb8;
	[tilespmem:$0x19000] =	vst v63  }
0x1d: {  	s15 =	simm.s32 $0xD800;
	v3 =	vadd.s32 v1, v3  }
0x1e: {  	[tilespmem:s15], [sflag:$0x3] =	stream.indirect_vreg.gather [hbm4b:s9+s0], $0x80, v4, vm0, $0xb8;
	[tilespmem:$0x19000] =	vst v63  }
0x1f: {  	s16 =	simm.s32 $0xE000  }
0x20: {  	[tilespmem:s16], [sflag:$0x3] =	stream.indirect_vreg.gather [hbm4b:s10+s0], $0x80, v4, vm0, $0xb8;
	[tilespmem:$0x19000] =	vst v63  }
0x21: {  	s17 =	simm.s32 $0xE800  }
0x22: {  	[tilespmem:s17], [sflag:$0x3] =	stream.indirect_vreg.gather [hbm4b:s2+s0], $0x80, v3, vm0, $0xb8;
	[tilespmem:$0x19000] =	vst v63  }
0x23: {  	s18 =	simm.s32 $0xF000  }
0x24: {  	[tilespmem:s18], [sflag:$0x3] =	stream.indirect_vreg.gather [hbm4b:s9+s0], $0x80, v3, vm0, $0xb8;
	[tilespmem:$0x19000] =	vst v63  }
0x25: {  	s19 =	simm.s32 $0xF800  }
0x26: {  	[tilespmem:s19], [sflag:$0x3] =	stream.indirect_vreg.gather [hbm4b:s10+s0], $0x80, v3, vm0, $0xb8;
	[tilespmem:$0x19000] =	vst v63  }
0x27: {  	v3 =	vld [tilespmem:$0x10];
	_ =	sdelay $0x4  }
0x28: {  	v63 =	vshrl.u32 v3, $0x3  }
0x29: {  	v4 =	vmul.u32 $0x30, v63  }
0x2a: {  	v3 =	vand.u32 $0x7, v3  }
0x2b: {  	v3 =	vor.u32 v3, v4  }
0x2c: {  	v4 =	vperm.xlane v3, v0;
	_ =	sdelay $0x1  }
0x2d: {  	v4 =	vadd.s32 v1, v4;
	_ =	sdelay $0x3  }
0x2e: {  	s20 =	simm.s32 $0x10000;
	v3 =	vperm.xlane v3, v2  }
0x2f: {  	[tilespmem:s20], [sflag:$0x3] =	stream.indirect_vreg.gather [hbm4b:s2+s0], $0x80, v4, vm0, $0xb8;
	[tilespmem:$0x19000] =	vst v63  }
0x30: {  	s25 =	simm.s32 $0x10800;
	v3 =	vadd.s32 v1, v3  }
0x31: {  	[tilespmem:s25], [sflag:$0x3] =	stream.indirect_vreg.gather [hbm4b:s9+s0], $0x80, v4, vm0, $0xb8;
	[tilespmem:$0x19000] =	vst v63  }
0x32: {  	s26 =	simm.s32 $0x11000  }
0x33: {  	[tilespmem:s26], [sflag:$0x3] =	stream.indirect_vreg.gather [hbm4b:s10+s0], $0x80, v4, vm0, $0xb8;
	[tilespmem:$0x19000] =	vst v63  }
0x34: {  	s28 =	simm.s32 $0x11800  }
0x35: {  	[tilespmem:s28], [sflag:$0x3] =	stream.indirect_vreg.gather [hbm4b:s2+s0], $0x80, v3, vm0, $0xb8;
	[tilespmem:$0x19000] =	vst v63  }
0x36: {  	s29 =	simm.s32 $0x12000  }
0x37: {  	[tilespmem:s29], [sflag:$0x3] =	stream.indirect_vreg.gather [hbm4b:s9+s0], $0x80, v3, vm0, $0xb8;
	[tilespmem:$0x19000] =	vst v63  }
0x38: {  	s30 =	simm.s32 $0x12800;
	s8 =	simm.s32 $0x0  }
0x39: {  	[tilespmem:s30], [sflag:$0x3] =	stream.indirect_vreg.gather [hbm4b:s10+s0], $0x80, v3, vm0, $0xb8;
	[tilespmem:$0x19000] =	vst v63  }
.LBB2_2:
0x3a: {  	s12 =	sshll.u32 s8, $0x1  }
0x3b: {  	s0 =	sor.u32 $0x1, s12  }
0x3c: {  	s3 =	sshll.u32 s0, $0x5  }
0x3d: {  	p0 =	seq.s32 s8, $0x0;
	s3 =	sadd.s32 s6, s3  }
0x3e: {  	s7 =	simm.s32 @!p0 $0x6;
	s3 =	sshrl.u32 s3, $0x3  }
0x3f: {  	_ =	swait.ge @!p0 [sflag:s7], $0x6000;
	s11 =	smul.u32 $0x300, s3  }
0x40: {  	s25 =	simm.s32 $0x0;
	s0 =	sshll.u32 s0, $0x7;
	[sflag:s7] =	ssyncset.done @!p0 $0x0  }
0x41: {  	s0 =	sand.u32 $0x3FFFFF80, s0;
	[sflag:s7] =	ssyncadd.s32 @!p0 $0xFFFFA000;
	s3 =	sadd.s32 s31, s11  }
0x42: {  	[tilespmem:s4], [sflag:$0x2] =	stream.linear.gather [hbm4b:s3+s25], $0x6000, $0x38;
	[tilespmem:$0x19000] =	vst v63  }
0x43: {  	v3 =	vld [tilespmem:s0+$0x0];
	_ =	sdelay $0x4  }
0x44: {  	v4 =	vshrl.u32 v3, $0x3  }
0x45: {  	v4 =	vmul.u32 $0x30, v4  }
0x46: {  	v3 =	vand.u32 $0x7, v3  }
0x47: {  	v3 =	vor.u32 v3, v4  }
0x48: {  	v4 =	vperm.xlane v3, v0;
	_ =	sdelay $0x1  }
0x49: {  	v4 =	vadd.s32 v1, v4;
	_ =	sdelay $0x3  }
0x4a: {  	s1 =	simm.s32 $0x13000;
	v3 =	vperm.xlane v3, v2  }
0x4b: {  	[tilespmem:s1], [sflag:$0x4] =	stream.indirect_vreg.gather [hbm4b:s2+s25], $0x80, v4, vm0, $0xb8;
	[tilespmem:$0x19000] =	vst v63  }
0x4c: {  	s13 =	simm.s32 $0x13800;
	v3 =	vadd.s32 v1, v3  }
0x4d: {  	[tilespmem:s13], [sflag:$0x4] =	stream.indirect_vreg.gather [hbm4b:s9+s25], $0x80, v4, vm0, $0xb8;
	[tilespmem:$0x19000] =	vst v63  }
0x4e: {  	s14 =	simm.s32 $0x14000  }
0x4f: {  	[tilespmem:s14], [sflag:$0x4] =	stream.indirect_vreg.gather [hbm4b:s10+s25], $0x80, v4, vm0, $0xb8;
	[tilespmem:$0x19000] =	vst v63  }
0x50: {  	s15 =	simm.s32 $0x14800  }
0x51: {  	[tilespmem:s15], [sflag:$0x4] =	stream.indirect_vreg.gather [hbm4b:s2+s25], $0x80, v3, vm0, $0xb8;
	[tilespmem:$0x19000] =	vst v63  }
0x52: {  	s16 =	simm.s32 $0x15000  }
0x53: {  	[tilespmem:s16], [sflag:$0x4] =	stream.indirect_vreg.gather [hbm4b:s9+s25], $0x80, v3, vm0, $0xb8;
	[tilespmem:$0x19000] =	vst v63  }
0x54: {  	s17 =	simm.s32 $0x15800  }
0x55: {  	[tilespmem:s17], [sflag:$0x4] =	stream.indirect_vreg.gather [hbm4b:s10+s25], $0x80, v3, vm0, $0xb8;
	[tilespmem:$0x19000] =	vst v63  }
0x56: {  	v3 =	vld [tilespmem:s0+$0x10];
	_ =	sdelay $0x4  }
0x57: {  	v63 =	vshrl.u32 v3, $0x3  }
0x58: {  	v4 =	vmul.u32 $0x30, v63  }
0x59: {  	v3 =	vand.u32 $0x7, v3  }
0x5a: {  	v3 =	vor.u32 v3, v4  }
0x5b: {  	v4 =	vperm.xlane v3, v0;
	_ =	sdelay $0x1  }
0x5c: {  	v4 =	vadd.s32 v1, v4;
	_ =	sdelay $0x3  }
0x5d: {  	s18 =	simm.s32 $0x16000;
	v3 =	vperm.xlane v3, v2  }
0x5e: {  	[tilespmem:s18], [sflag:$0x4] =	stream.indirect_vreg.gather [hbm4b:s2+s25], $0x80, v4, vm0, $0xb8;
	[tilespmem:$0x19000] =	vst v63  }
0x5f: {  	s19 =	simm.s32 $0x16800;
	v3 =	vadd.s32 v1, v3  }
0x60: {  	[tilespmem:s19], [sflag:$0x4] =	stream.indirect_vreg.gather [hbm4b:s9+s25], $0x80, v4, vm0, $0xb8;
	[tilespmem:$0x19000] =	vst v63  }
0x61: {  	s26 =	simm.s32 $0x17000  }
0x62: {  	[tilespmem:s26], [sflag:$0x4] =	stream.indirect_vreg.gather [hbm4b:s10+s25], $0x80, v4, vm0, $0xb8;
	[tilespmem:$0x19000] =	vst v63  }
0x63: {  	s28 =	simm.s32 $0x17800  }
0x64: {  	[tilespmem:s28], [sflag:$0x4] =	stream.indirect_vreg.gather [hbm4b:s2+s25], $0x80, v3, vm0, $0xb8;
	[tilespmem:$0x19000] =	vst v63  }
0x65: {  	s29 =	simm.s32 $0x18000  }
0x66: {  	[tilespmem:s29], [sflag:$0x4] =	stream.indirect_vreg.gather [hbm4b:s9+s25], $0x80, v3, vm0, $0xb8;
	[tilespmem:$0x19000] =	vst v63  }
0x67: {  	s20 =	smov.u32 s31;
	s30 =	simm.s32 $0x18800;
	s31 =	simm.s32 $0x1  }
0x68: {  	[tilespmem:s30], [sflag:$0x4] =	stream.indirect_vreg.gather [hbm4b:s10+s25], $0x80, v3, vm0, $0xb8;
	[tilespmem:$0x19000] =	vst v63  }
0x69: {  	_ =	swait.ge [sflag:s31], $0x6000  }
0x6a: {  	[sflag:s31] =	ssyncset.done $0x0  }
0x6b: {  	[sflag:s31] =	ssyncadd.s32 $0xFFFFA000  }
0x6c: {  	_ =	swait.ge [sflag:s21], $0x6000  }
0x6d: {  	[sflag:s21] =	ssyncset.done $0x0  }
0x6e: {  	s7 =	simm.s32 $0x0;
	[sflag:s21] =	ssyncadd.s32 $0xFFFFA000  }
.LBB2_3:
0x6f: {  	s0 =	sshrl.u32 s7, $0x3;
	s3 =	sshll.u32 s7, $0x7  }
0x70: {  	s18 =	simm.s32 $0x0;
	s28 =	smul.u32 $0x1800, s0;
	s13 =	sand.u32 $0x380, s3  }
0x71: {  	s26 =	sand.u32 $0x1C00, s25;
	s19 =	sand.u32 $0x40, s18;
	s29 =	sor.u32 $0x30, s13  }
0x72: {  	s15 =	sadd.s32 s28, s26;
	s1 =	sor.u32 s29, s19  }
0x73: {  	s17 =	sor.u32 s15, s1  }
0x74: {  	s4 =	sor.u32 s13, s19;
	v4 =	vld [tilespmem:s17+$0x1000]  }
0x75: {  	s30 =	sor.u32 $0x10, s13;
	s1 =	sor.u32 s15, s4;
	v5 =	vld [tilespmem:s17+$0xD000]  }
0x76: {  	s14 =	sor.u32 s30, s19;
	v7 =	vld [tilespmem:s1+$0x1000]  }
0x77: {  	s0 =	sor.u32 $0x20, s13;
	s31 =	sor.u32 s15, s14;
	v8 =	vld [tilespmem:s1+$0xD000]  }
0x78: {  	s3 =	simm.s32 $0x40;
	s16 =	sor.u32 s0, s19;
	s14 =	simm.s32 $0x200;
	v9 =	vld [tilespmem:s31+$0x1000]  }
0x79: {  	s19 =	sand.u32 $0x40, s3;
	s18 =	sor.u32 s15, s16;
	s5 =	sand.u32 $0x1C00, s14;
	v10 =	vld [tilespmem:s31+$0xD000]  }
0x7a: {  	s16 =	sor.u32 s29, s19;
	v3 =	vld [tilespmem:s18+$0x1000];
	s4 =	sadd.s32 s28, s5  }
0x7b: {  	v6 =	vld [tilespmem:s18+$0xD000];
	s15 =	sor.u32 s4, s16  }
0x7c: {  	s26 =	sor.u32 s13, s19;
	v5 =	vadd.f32 v5, v4;
	v4 =	vld [tilespmem:s15+$0x1000]  }
0x7d: {  	s16 =	sor.u32 s4, s26;
	v8 =	vadd.f32 v8, v7;
	v7 =	vld [tilespmem:s15+$0xD000]  }
0x7e: {  	s5 =	sor.u32 s0, s19;
	s26 =	sor.u32 s30, s19;
	[tilespmem:s17+$0x1000] =	vst v5;
	v5 =	vld [tilespmem:s16+$0x1000]  }
0x7f: {  	s19 =	sor.u32 s4, s26;
	v9 =	vadd.f32 v10, v9;
	s17 =	sor.u32 s4, s5;
	[tilespmem:s1+$0x1000] =	vst v8;
	v8 =	vld [tilespmem:s16+$0xD000]  }
.LBB2_4:
0x80: {  	s14 =	sadd.s32 $0x200, s14  }
0x81: {  	s3 =	sadd.s32 $0x40, s3;
	v10 =	vld [tilespmem:s19+$0x1000];
	[tilespmem:s31+$0x1000] =	vst v9;
	v6 =	vadd.f32 v6, v3;
	s31 =	smov.u32 s19;
	s4 =	sand.u32 $0x1C00, s14  }
0x82: {  	s1 =	sand.u32 $0x40, s3;
	p0 =	slt.u32 s3, $0x2C0;
	v9 =	vld [tilespmem:s31+$0xD000];
	s4 =	sadd.s32 s28, s4  }
0x83: {  	s5 =	sor.u32 s13, s1;
	s19 =	sor.u32 s29, s1;
	v3 =	vld [tilespmem:s17+$0x1000];
	v7 =	vadd.f32 v7, v4;
	[tilespmem:s18+$0x1000] =	vst v6;
	s18 =	sor.u32 s30, s1  }
.Ltmp0:
0x84: {  	s1 =	sor.u32 s0, s1;
	s26 =	sor.u32 s4, s19;
	v6 =	vld [tilespmem:s17+$0xD000];
	(pc) =	sbr.rel @p0 .LBB2_4-.Ltmp0, $4  }
0x85: {  	s5 =	sor.u32 s4, s5;
	s19 =	sor.u32 s4, s18;
	s1 =	sor.u32 s4, s1;
	v4 =	vld [tilespmem:s26+$0x1000];
	v8 =	vadd.f32 v8, v5;
	[tilespmem:s15+$0x1000] =	vst v7  }
0x86: {  	s18 =	smov.u32 s17;
	s15 =	smov.u32 s26;
	s17 =	smov.u32 s1;
	v7 =	vld [tilespmem:s26+$0xD000]  }
0x87: {  	v5 =	vld [tilespmem:s5+$0x1000];
	[tilespmem:s16+$0x1000] =	vst v8;
	v9 =	vadd.f32 v9, v10;
	s16 =	smov.u32 s5  }
0x88: {  	v8 =	vld [tilespmem:s16+$0xD000]  }
0x89: {  	v10 =	vld [tilespmem:s19+$0x1000]  }
0x8a: {  	v11 =	vld [tilespmem:s19+$0xD000]  }
0x8b: {  	v12 =	vld [tilespmem:s17+$0x1000]  }
0x8c: {  	v13 =	vld [tilespmem:s17+$0xD000]  }
0x8d: {  	v3 =	vadd.f32 v6, v3;
	s7 =	sadd.s32 $0x1, s7  }
0x8e: {  	[tilespmem:s31+$0x1000] =	vst v9;
	p0 =	sne.s32 s7, $0x20;
	v4 =	vadd.f32 v7, v4  }
.Ltmp1:
0x8f: {  	[tilespmem:s18+$0x1000] =	vst v3;
	v3 =	vadd.f32 v8, v5;
	(pc) =	sbr.rel @p0 .LBB2_3-.Ltmp1, $4  }
0x90: {  	[tilespmem:s15+$0x1000] =	vst v4;
	v63 =	vadd.f32 v11, v10  }
0x91: {  	[tilespmem:s16+$0x1000] =	vst v3;
	v3 =	vadd.f32 v13, v12  }
0x92: {  	[tilespmem:s19+$0x1000] =	vst v63  }
0x93: {  	[tilespmem:s17+$0x1000] =	vst v3  }
0x94: {  	s0 =	sshll.u32 s8, $0x6  }
0x95: {  	s0 =	sadd.s32 s6, s0  }
0x96: {  	s0 =	sshrl.u32 s0, $0x3  }
0x97: {  	s0 =	smul.u32 $0x300, s0  }
0x98: {  	s1 =	rddreg [dreg:$0x3];
	s30 =	simm.s32 $0x0  }
0x99: {  	s3 =	simm.s32 $0x1000;
	p0 =	seq.s32 s8, $0xF;
	s0 =	sadd.s32 s1, s0  }
0x9a: {  	[hbm4b:s0+s30] =	stream.linear.scatter [tilespmem:s3], [sflag:$0x5], $0x6000, $0x38;
	[tilespmem:$0x19000] =	vst v63  }
0x9b: {  	s0 =	sadd.s32 @!p0 $0x2, s12  }
0x9c: {  	s1 =	sshll.u32 @!p0 s0, $0x5  }
0x9d: {  	s1 =	sadd.s32 @!p0 s6, s1  }
0x9e: {  	s1 =	sshrl.u32 @!p0 s1, $0x3  }
0x9f: {  	s4 =	simm.s32 @!p0 $0x1000;
	_ =	swait.ge [sflag:s22], $0x6000;
	s1 =	smul.u32 @!p0 $0x300, s1  }
0xa0: {  	s3 =	simm.s32 @!p0 $0x0;
	s0 =	sshll.u32 @!p0 s0, $0x7;
	[sflag:s22] =	ssyncset.done $0x0  }
0xa1: {  	s0 =	sand.u32 @!p0 $0x3FFFFF80, s0;
	[sflag:s22] =	ssyncadd.s32 $0xFFFFA000;
	s1 =	sadd.s32 @!p0 s20, s1  }
0xa2: {  	[tilespmem:s4], [sflag:$0x1] =	stream.linear.gather @!p0 [hbm4b:s1+s3], $0x6000, $0x38;
	[tilespmem:$0x19000] =	vst v63  }
0xa3: {  	v3 =	vld @!p0 [tilespmem:s0+$0x0];
	_ =	sdelay $0x4  }
0xa4: {  	v4 =	vshrl.u32 @!p0 v3, $0x3  }
0xa5: {  	v4 =	vmul.u32 @!p0 $0x30, v4  }
0xa6: {  	v5 =	vlaneseq.u32 @!p0;
	v3 =	vand.u32 @!p0 $0x7, v3  }
0xa7: {  	v6 =	vshrl.u32 @!p0 v5, $0x3;
	v3 =	vor.u32 @!p0 v3, v4;
	v4 =	vand.u32 @!p0 $0x7, v5  }
0xa8: {  	v6 =	vmul.u32 @!p0 $0x8, v6;
	v7 =	vperm.xlane @!p0 v3, v4;
	_ =	sdelay $0x1  }
0xa9: {  	v7 =	vadd.s32 @!p0 v6, v7;
	_ =	sdelay $0x2  }
0xaa: {  	v5 =	vor.u32 @!p0 $0x8, v5  }
0xab: {  	vm1 =	vmmov @!p0 $0xffff;
	s1 =	simm.s32 @!p0 $0xD000;
	v3 =	vperm.xlane @!p0 v3, v5  }
0xac: {  	[tilespmem:s1], [sflag:$0x3] =	stream.indirect_vreg.gather @!p0 [hbm4b:s2+s3], $0x80, v7, vm1, $0xb8;
	[tilespmem:$0x19000] =	vst v63  }
0xad: {  	v3 =	vadd.s32 @!p0 v6, v3;
	s1 =	simm.s32 @!p0 $0xD800  }
0xae: {  	[tilespmem:s1], [sflag:$0x3] =	stream.indirect_vreg.gather @!p0 [hbm4b:s9+s3], $0x80, v7, vm1, $0xb8;
	[tilespmem:$0x19000] =	vst v63  }
0xaf: {  	s1 =	simm.s32 @!p0 $0xE000  }
0xb0: {  	[tilespmem:s1], [sflag:$0x3] =	stream.indirect_vreg.gather @!p0 [hbm4b:s10+s3], $0x80, v7, vm1, $0xb8;
	[tilespmem:$0x19000] =	vst v63  }
0xb1: {  	s1 =	simm.s32 @!p0 $0xE800  }
0xb2: {  	[tilespmem:s1], [sflag:$0x3] =	stream.indirect_vreg.gather @!p0 [hbm4b:s2+s3], $0x80, v3, vm1, $0xb8;
	[tilespmem:$0x19000] =	vst v63  }
0xb3: {  	s1 =	simm.s32 @!p0 $0xF000  }
0xb4: {  	[tilespmem:s1], [sflag:$0x3] =	stream.indirect_vreg.gather @!p0 [hbm4b:s9+s3], $0x80, v3, vm1, $0xb8;
	[tilespmem:$0x19000] =	vst v63  }
0xb5: {  	s1 =	simm.s32 @!p0 $0xF800  }
0xb6: {  	[tilespmem:s1], [sflag:$0x3] =	stream.indirect_vreg.gather @!p0 [hbm4b:s10+s3], $0x80, v3, vm1, $0xb8;
	[tilespmem:$0x19000] =	vst v63  }
0xb7: {  	v3 =	vld @!p0 [tilespmem:s0+$0x10];
	_ =	sdelay $0x4  }
0xb8: {  	v7 =	vshrl.u32 @!p0 v3, $0x3  }
0xb9: {  	v7 =	vmul.u32 @!p0 $0x30, v7  }
0xba: {  	v3 =	vand.u32 @!p0 $0x7, v3  }
0xbb: {  	v3 =	vor.u32 @!p0 v3, v7  }
0xbc: {  	v4 =	vperm.xlane @!p0 v3, v4;
	_ =	sdelay $0x1  }
0xbd: {  	v4 =	vadd.s32 @!p0 v6, v4;
	_ =	sdelay $0x3  }
0xbe: {  	s0 =	simm.s32 @!p0 $0x10000;
	v3 =	vperm.xlane @!p0 v3, v5  }
0xbf: {  	[tilespmem:s0], [sflag:$0x3] =	stream.indirect_vreg.gather @!p0 [hbm4b:s2+s3], $0x80, v4, vm1, $0xb8;
	[tilespmem:$0x19000] =	vst v63  }
0xc0: {  	v3 =	vadd.s32 @!p0 v6, v3;
	s0 =	simm.s32 @!p0 $0x10800  }
0xc1: {  	[tilespmem:s0], [sflag:$0x3] =	stream.indirect_vreg.gather @!p0 [hbm4b:s9+s3], $0x80, v4, vm1, $0xb8;
	[tilespmem:$0x19000] =	vst v63  }
0xc2: {  	s0 =	simm.s32 @!p0 $0x11000  }
0xc3: {  	[tilespmem:s0], [sflag:$0x3] =	stream.indirect_vreg.gather @!p0 [hbm4b:s10+s3], $0x80, v4, vm1, $0xb8;
	[tilespmem:$0x19000] =	vst v63  }
0xc4: {  	s0 =	simm.s32 @!p0 $0x11800  }
0xc5: {  	[tilespmem:s0], [sflag:$0x3] =	stream.indirect_vreg.gather @!p0 [hbm4b:s2+s3], $0x80, v3, vm1, $0xb8;
	[tilespmem:$0x19000] =	vst v63  }
0xc6: {  	s0 =	simm.s32 @!p0 $0x12000  }
0xc7: {  	[tilespmem:s0], [sflag:$0x3] =	stream.indirect_vreg.gather @!p0 [hbm4b:s9+s3], $0x80, v3, vm1, $0xb8;
	[tilespmem:$0x19000] =	vst v63  }
0xc8: {  	s0 =	simm.s32 @!p0 $0x12800  }
0xc9: {  	[tilespmem:s0], [sflag:$0x3] =	stream.indirect_vreg.gather @!p0 [hbm4b:s10+s3], $0x80, v3, vm1, $0xb8;
	[tilespmem:$0x19000] =	vst v63  }
0xca: {  	_ =	swait.ge [sflag:s23], $0x6000  }
0xcb: {  	[sflag:s23] =	ssyncset.done $0x0  }
0xcc: {  	[sflag:s23] =	ssyncadd.s32 $0xFFFFA000  }
0xcd: {  	_ =	swait.ge [sflag:s24], $0x6000  }
0xce: {  	s31 =	smov.u32 s20;
	[sflag:s24] =	ssyncset.done $0x0  }
0xcf: {  	s25 =	simm.s32 $0x0;
	s12 =	simm.s32 $0x0;
	[sflag:s24] =	ssyncadd.s32 $0xFFFFA000  }
.LBB2_7:
0xd0: {  	s0 =	sshrl.u32 s25, $0x3  }
0xd1: {  	s1 =	sshll.u32 s25, $0x7;
	s0 =	smul.u32 $0x1800, s0  }
0xd2: {  	s14 =	simm.s32 $0x0;
	s16 =	sand.u32 $0x1C00, s12;
	s13 =	sand.u32 $0x380, s1  }
0xd3: {  	s15 =	sand.u32 $0x40, s14;
	s28 =	sor.u32 $0x30, s13;
	s7 =	sadd.s32 $0x6000, s0  }
0xd4: {  	s17 =	sor.u32 s28, s15;
	s4 =	sadd.s32 s16, s7  }
0xd5: {  	s5 =	sor.u32 s4, s17  }
0xd6: {  	s18 =	sor.u32 s13, s15;
	v4 =	vld [tilespmem:s5+$0x1000]  }
0xd7: {  	s29 =	sor.u32 $0x10, s13;
	s26 =	sor.u32 s4, s18;
	v5 =	vld [tilespmem:s5+$0xD000]  }
0xd8: {  	s3 =	sor.u32 s29, s15;
	v7 =	vld [tilespmem:s26+$0x1000]  }
0xd9: {  	s0 =	sor.u32 $0x20, s13;
	s30 =	sor.u32 s4, s3;
	v8 =	vld [tilespmem:s26+$0xD000]  }
0xda: {  	s14 =	simm.s32 $0x200;
	s1 =	sor.u32 s0, s15;
	s3 =	simm.s32 $0x40;
	v9 =	vld [tilespmem:s30+$0x1000]  }
0xdb: {  	s20 =	sand.u32 $0x1C00, s14;
	s18 =	sor.u32 s4, s1;
	s19 =	sand.u32 $0x40, s3;
	v10 =	vld [tilespmem:s30+$0xD000]  }
0xdc: {  	s4 =	sadd.s32 s20, s7;
	v3 =	vld [tilespmem:s18+$0x1000];
	s15 =	sor.u32 s28, s19  }
0xdd: {  	v6 =	vld [tilespmem:s18+$0xD000];
	s15 =	sor.u32 s4, s15  }
0xde: {  	s16 =	sor.u32 s13, s19;
	v5 =	vadd.f32 v5, v4;
	v4 =	vld [tilespmem:s15+$0x1000]  }
0xdf: {  	s16 =	sor.u32 s4, s16;
	v8 =	vadd.f32 v8, v7;
	v7 =	vld [tilespmem:s15+$0xD000]  }
0xe0: {  	s17 =	sor.u32 s29, s19;
	s1 =	sor.u32 s0, s19;
	[tilespmem:s5+$0x1000] =	vst v5;
	v5 =	vld [tilespmem:s16+$0x1000]  }
0xe1: {  	s19 =	sor.u32 s4, s17;
	s17 =	sor.u32 s4, s1;
	v9 =	vadd.f32 v10, v9;
	[tilespmem:s26+$0x1000] =	vst v8;
	v8 =	vld [tilespmem:s16+$0xD000]  }
.LBB2_8:
0xe2: {  	s14 =	sadd.s32 $0x200, s14  }
0xe3: {  	s3 =	sadd.s32 $0x40, s3;
	v10 =	vld [tilespmem:s19+$0x1000];
	[tilespmem:s30+$0x1000] =	vst v9;
	v6 =	vadd.f32 v6, v3;
	s30 =	smov.u32 s19;
	s4 =	sand.u32 $0x1C00, s14  }
0xe4: {  	s1 =	sand.u32 $0x40, s3;
	p0 =	slt.u32 s3, $0x2C0;
	v9 =	vld [tilespmem:s30+$0xD000];
	s4 =	sadd.s32 s4, s7  }
0xe5: {  	s5 =	sor.u32 s13, s1;
	s19 =	sor.u32 s28, s1;
	v3 =	vld [tilespmem:s17+$0x1000];
	v7 =	vadd.f32 v7, v4;
	[tilespmem:s18+$0x1000] =	vst v6;
	s18 =	sor.u32 s29, s1  }
.Ltmp2:
0xe6: {  	s1 =	sor.u32 s0, s1;
	s26 =	sor.u32 s4, s19;
	v6 =	vld [tilespmem:s17+$0xD000];
	(pc) =	sbr.rel @p0 .LBB2_8-.Ltmp2, $4  }
0xe7: {  	s5 =	sor.u32 s4, s5;
	s19 =	sor.u32 s4, s18;
	s1 =	sor.u32 s4, s1;
	v4 =	vld [tilespmem:s26+$0x1000];
	v8 =	vadd.f32 v8, v5;
	[tilespmem:s15+$0x1000] =	vst v7  }
0xe8: {  	s18 =	smov.u32 s17;
	s15 =	smov.u32 s26;
	s17 =	smov.u32 s1;
	v7 =	vld [tilespmem:s26+$0xD000]  }
0xe9: {  	v5 =	vld [tilespmem:s5+$0x1000];
	[tilespmem:s16+$0x1000] =	vst v8;
	v9 =	vadd.f32 v9, v10;
	s16 =	smov.u32 s5  }
0xea: {  	v8 =	vld [tilespmem:s16+$0xD000]  }
0xeb: {  	v10 =	vld [tilespmem:s19+$0x1000]  }
0xec: {  	v11 =	vld [tilespmem:s19+$0xD000]  }
0xed: {  	v12 =	vld [tilespmem:s17+$0x1000]  }
0xee: {  	v13 =	vld [tilespmem:s17+$0xD000]  }
0xef: {  	v3 =	vadd.f32 v6, v3;
	s25 =	sadd.s32 $0x1, s25  }
0xf0: {  	[tilespmem:s30+$0x1000] =	vst v9;
	p0 =	sne.s32 s25, $0x20;
	v4 =	vadd.f32 v7, v4  }
.Ltmp3:
0xf1: {  	[tilespmem:s18+$0x1000] =	vst v3;
	v3 =	vadd.f32 v8, v5;
	(pc) =	sbr.rel @p0 .LBB2_7-.Ltmp3, $4  }
0xf2: {  	[tilespmem:s15+$0x1000] =	vst v4;
	v63 =	vadd.f32 v11, v10  }
0xf3: {  	[tilespmem:s16+$0x1000] =	vst v3;
	v3 =	vadd.f32 v13, v12  }
0xf4: {  	[tilespmem:s19+$0x1000] =	vst v63  }
0xf5: {  	[tilespmem:s17+$0x1000] =	vst v3  }
0xf6: {  	s8 =	sadd.s32 $0x1, s8  }
0xf7: {  	p0 =	sne.s32 s8, $0x10  }
.Ltmp4:
0xf8: {  	_ = 	snop;
	(pc) =	sbr.rel @p0 .LBB2_2-.Ltmp4, $4  }
0xf9: {  	_ = 	snop  }
0xfa: {  	s0 =	rddreg [dreg:$0x3]  }
0xfb: {  	s1 =	simm.s32 $0x0;
	s4 =	simm.s32 $0x7000;
	s0 =	sadd.s32 s0, s11  }
0xfc: {  	[hbm4b:s0+s1] =	stream.linear.scatter [tilespmem:s4], [sflag:$0x6], $0x6000, $0x38;
	[tilespmem:$0x19000] =	vst v63  }
0xfd: {  	s1 =	simm.s32 $0x6  }
0xfe: {  	_ =	swait.ge [sflag:s1], $0x6000  }
0xff: {  	s3 =	rddreg [dreg:$0x8]  }
0x100: {  	s0 =	rddreg [dreg:$0x7];
	s3 =	sadd.s32 $0x1, s3  }
0x101: {  	p0 =	sne.s32 s3, s0  }
.Ltmp5:
0x102: {  	_ = 	snop;
	(pc) =	sbr.rel @p0 .LBB2_1-.Ltmp5, $3  }
0x103: {  	_ =	sdelay $0x1  }
0x104: {  	[sflag:s1] =	ssyncset.done $0x0  }
0x105: {  	[sflag:s1] =	ssyncadd.s32 $0xFFFFA000  }
0x106: {  	_ =	sfence.sel $0x180000  }
0x107: {  	[bflag:$0x0] =	sbarrier.arrive $0xFFFF  }
0x108: {  	_ =	strace $0x90000047  }
0x109: {  	s0 =	stileid.u32;
	[bflag:$0x2] =	sbarrier.arrive $0xFFFF  }
0x10a: {  	p0 =	sne.s32 s0, $0x0;
	s0 =	rddreg [dreg:$0x4]  }
0x10b: {  	s0 =	sadd.s32 @!p0 $0x100000, s0  }
0x10c: {  	[sflag:s0] =	ssyncadd.tile.s32 @!p0 $0x1;
	_ =	shalt  }
.Lfunc_end2:
_tile_overlayer_lowered:
.L_overlay_start_2:
0x10d: {  	(tag) =	ssettag $0x2  }
0x10e: {  	s0 =	rddreg [dreg:$0x0];
	s2 =	stileid.u32  }
0x10f: {  	s1 =	rddreg [dreg:$0x1];
	p0 =	sne.s32 s2, $0x0  }
0x110: {  	s3 =	rddreg [dreg:$0x2];
	[bflag:$0x3] =	sbarrier.arrive $0xFFFF;
	s2 =	simm.s32 @!p0 $0x1C07  }
0x111: {  	[timem:s3], [sflag:s2] =	dma.local @!p0 [hbm:s0], s1  }
0x112: {  	s0 =	simm.s32 @!p0 $0x7  }
0x113: {  	_ =	swait.ge @!p0 [sflag:s0], s1  }
0x114: {  	s1 =	ssub.s32 @!p0 $0x0, s1;
	[sflag:s0] =	ssyncset.done @!p0 $0x0  }
0x115: {  	[sflag:s0] =	ssyncadd.s32 @!p0 s1  }
0x116: {  	[bflag:$0x3] =	sbarrier.arrive $0xFFFF  }
0x117: {  	_ =	shalt  }

</sc_bundles>
